<compile_context>
chip_gen: v7x
topology: tpu7x:2x2x1
jax: 0.10.2.dev20260603
libtpu: 0.0.44.dev20260713+nightly
codegen_flags: <defaults>
</compile_context>

<pallas_src>
import jax
import jax.numpy as jnp
from jax import lax
from jax.experimental import pallas as pl
from jax.experimental.pallas import tpu as pltpu
from jax.experimental.pallas import tpu_sc as plsc

N_NODES = 10000
N_EDGES = 320000
D = 128

NC = 2
NS = 16
NW = NC * NS
EPW = N_EDGES // NW
CHUNK = 80
NCHUNK = EPW // CHUNK
IBLK = 25
NIB = NCHUNK // IBLK
NACC = 10000
ACC_T = 10
ACC_R = NACC // ACC_T
NPAD_H = 10240
SEG = NPAD_H // NS


def _sc_body(x_hbm, srcf_hbm, dst_hbm, acc_out, deg_out,
             src_v, dst_v, rows_a, rows_b, rows_c, hist_v, red_v, tmp_v,
             acc_sh, hists_sh, sem_a, sem_b, sem_c,
             sem_sa, sem_sb, sem_sc):
    cid = lax.axis_index("c")
    sid = lax.axis_index("s")
    wid = sid * NC + cid

    z16 = jnp.zeros((16,), jnp.float32)

    def zhist(i, _):
        for c in range(4):
            hist_v[pl.ds(i * 64 + c * 16, 16)] = z16
        return 0

    lax.fori_loop(0, NPAD_H // 64, zhist, 0)
    for c in range(SEG // 16):
        red_v[pl.ds(c * 16, 16)] = z16

    def zrow(i, _):
        for c in range(D // 16):
            rows_a[i, pl.ds(c * 16, 16)] = z16
        return 0

    lax.fori_loop(0, CHUNK, zrow, 0)

    @pl.when(sid < ACC_T)
    def _():
        for k in range(ACC_R // CHUNK):
            pltpu.sync_copy(
                rows_a, acc_sh.at[pl.ds(sid * ACC_R + k * CHUNK, CHUNK)])
        pltpu.sync_copy(rows_a.at[pl.ds(0, ACC_R % CHUNK)],
                        acc_sh.at[pl.ds(sid * ACC_R + ACC_R - ACC_R % CHUNK,
                                        ACC_R % CHUNK)])

    plsc.subcore_barrier()

    ones16 = jnp.full((16,), 1.0, jnp.float32)
    bufs = (rows_a, rows_b, rows_c)
    gsems = (sem_a, sem_b, sem_c)
    ssems = (sem_sa, sem_sb, sem_sc)

    def block(ib, _):
        pltpu.sync_copy(srcf_hbm.at[wid * NIB + ib], src_v)
        pltpu.sync_copy(dst_hbm.at[wid, ib], dst_v)
        pltpu.async_copy(x_hbm.at[src_v.at[pl.ds(0, CHUNK)]], rows_a, sem_a)

        def step(j, _):
            @pl.when(j + 1 < IBLK)
            def _():
                for b in range(3):
                    @pl.when(lax.rem(j + 1, 3) == b)
                    def _(b=b):
                        @pl.when(j >= 2)
                        def _(b=b):
                            pltpu.make_async_copy(
                                bufs[b], acc_sh.at[dst_v.at[j]],
                                ssems[b]).wait()
                        pltpu.async_copy(
                            x_hbm.at[src_v.at[pl.ds((j + 1) * CHUNK, CHUNK)]],
                            bufs[b], gsems[b])

            for k in range(CHUNK // 16):
                idx = dst_v[j, pl.ds(k * 16, 16)]
                plsc.addupdate_scatter(hist_v, [idx], ones16)

            for b in range(3):
                @pl.when(lax.rem(j, 3) == b)
                def _(b=b):
                    pltpu.make_async_copy(
                        x_hbm.at[src_v.at[pl.ds(j * CHUNK, CHUNK)]],
                        bufs[b], gsems[b]).wait()
                    pltpu.async_copy(bufs[b], acc_sh.at[dst_v.at[j]],
                                     ssems[b], add=True)

            return 0

        lax.fori_loop(0, IBLK, step, 0)
        for b in (1, 2, 0):
            pltpu.make_async_copy(
                bufs[b], acc_sh.at[dst_v.at[0]], ssems[b]).wait()
        return 0

    lax.fori_loop(0, NIB, block, 0)

    def phase(p, _):
        pub = lax.rem(sid + p, NS)
        pltpu.sync_copy(hist_v.at[pl.ds(pub * SEG, SEG)], hists_sh.at[sid])
        plsc.subcore_barrier()
        slot = lax.rem(sid - p + NS, NS)
        pltpu.sync_copy(hists_sh.at[slot], tmp_v)
        for c in range(SEG // 16):
            sl = pl.ds(c * 16, 16)
            red_v[sl] = red_v[sl] + tmp_v[sl]
        plsc.subcore_barrier()
        return 0

    lax.fori_loop(0, NS, phase, 0)

    pltpu.sync_copy(red_v, deg_out.at[cid, pl.ds(sid * SEG, SEG)])

    @pl.when(sid < ACC_T)
    def _():
        pltpu.sync_copy(acc_sh.at[pl.ds(sid * ACC_R, ACC_R)],
                        acc_out.at[cid, pl.ds(sid * ACC_R, ACC_R)])


def _tc_body(p_ref, d_ref, x_ref, w_ref, b_ref, o_ref):
    p = p_ref[0] + p_ref[1]
    dgr = (d_ref[0] + d_ref[1]).reshape(1, -1)
    dg = jnp.transpose(dgr, (1, 0))
    agg = p / jnp.maximum(dg, 1.0)
    h = jnp.dot(agg, w_ref[...], preferred_element_type=jnp.float32) + b_ref[...]
    o_ref[...] = jnp.maximum(h, 0.0) + x_ref[...]


def kernel(x, edge_index, W, b):
    ei = edge_index.astype(jnp.int32)
    srcf = ei[0].reshape(NW * NIB, IBLK * CHUNK)
    dst = ei[1].reshape(NW, NIB, IBLK, CHUNK)

    mesh = plsc.VectorSubcoreMesh(core_axis_name="c", subcore_axis_name="s")
    acc_p, deg_p = pl.kernel(
        _sc_body,
        out_type=(
            jax.ShapeDtypeStruct((NC, NACC, D), jnp.float32),
            jax.ShapeDtypeStruct((NC, NPAD_H), jnp.float32),
        ),
        mesh=mesh,
        compiler_params=pltpu.CompilerParams(needs_layout_passes=False),
        scratch_types=[
            pltpu.VMEM((IBLK * CHUNK,), jnp.int32),
            pltpu.VMEM((IBLK, CHUNK), jnp.int32),
            pltpu.VMEM((CHUNK, D), jnp.float32),
            pltpu.VMEM((CHUNK, D), jnp.float32),
            pltpu.VMEM((CHUNK, D), jnp.float32),
            pltpu.VMEM((NPAD_H,), jnp.float32),
            pltpu.VMEM((SEG,), jnp.float32),
            pltpu.VMEM((SEG,), jnp.float32),
            pltpu.VMEM_SHARED((NACC, D), jnp.float32),
            pltpu.VMEM_SHARED((NS, SEG), jnp.float32),
            pltpu.SemaphoreType.DMA,
            pltpu.SemaphoreType.DMA,
            pltpu.SemaphoreType.DMA,
            pltpu.SemaphoreType.DMA,
            pltpu.SemaphoreType.DMA,
            pltpu.SemaphoreType.DMA,
        ],
    )(x, srcf, dst)

    R = 1024
    grid = ((N_NODES + R - 1) // R,)
    h = pl.pallas_call(
        _tc_body,
        grid=grid,
        in_specs=[
            pl.BlockSpec((NC, R, D), lambda i: (0, i, 0)),
            pl.BlockSpec((NC, R), lambda i: (0, i)),
            pl.BlockSpec((R, D), lambda i: (i, 0)),
            pl.BlockSpec((D, D), lambda i: (0, 0)),
            pl.BlockSpec((1, D), lambda i: (0, 0)),
        ],
        out_specs=pl.BlockSpec((R, D), lambda i: (i, 0)),
        out_shape=jax.ShapeDtypeStruct((N_NODES, D), jnp.float32),
    )(acc_p, deg_p, x, W, b.reshape(1, D))
    return h

# --- scband reference (transcript-rebuilt; emitter-appended) ---
"""Pipeline reference for scband-gnnblock-66666482368727 (READ-ONLY COPY).

The authoritative reference and input builder live on the scoring server;
editing this copy changes nothing except your own understanding.
"""

import jax, jax.numpy as jnp
import numpy as np

N_NODES = 10000
N_EDGES = 320000
D = 128

def setup_inputs(seed: int = 0) -> dict:
    key = jax.random.key(seed)
    k1, k2, k3, k4 = jax.random.split(key, 4)
    x = jax.random.normal(k1, (N_NODES, D), dtype=jnp.float32)
    edge_index = jax.random.randint(k2, (2, N_EDGES), 0, N_NODES, dtype=jnp.int64)
    W = jax.random.normal(k3, (D, D), dtype=jnp.float32) * (1.0 / np.sqrt(D))
    b = jnp.zeros((D,), dtype=jnp.float32)
    return {"x": x, "edge_index": edge_index, "W": W, "b": b}

def reference(x, edge_index, W, b):
    # GNNBlock forward: convolution (mean-aggregation message passing + linear),
    # no batch_norm, relu activation, dropout p=0 (no-op), residual (in_dim == out_dim).
    src = edge_index[0]
    dst = edge_index[1]
    msgs = jnp.take(x, src, axis=0)                                   # gather [E, D]
    agg = jax.ops.segment_sum(msgs, dst, num_segments=N_NODES)        # scatter-add [N, D]
    deg = jax.ops.segment_sum(jnp.ones((N_EDGES,), dtype=jnp.float32), dst, num_segments=N_NODES)
    agg = agg / jnp.clip(deg, 1.0)[:, None]                           # mean aggregation
    h = agg @ W + b                                                   # linear transform
    h = jax.nn.relu(h)                                                # Activation.RELU
    h = h + x                                                         # residual (no downsampling)
    return h

if __name__ == "__main__":
    import jax
    _d = setup_inputs()
    print(jax.jit(kernel)(*tuple(_d.values())))

</pallas_src>

<mosaic_0001>
#map = affine_map<(d0, d1) -> (0, 0)>
#map1 = affine_map<(d0, d1) -> (0, 0, 0, 0)>
#map2 = affine_map<(d0, d1) -> (0, 0, 0)>
module attributes {stable_mosaic.version = 14 : i64} {
  func.func @_sc_body(%arg0: i32, %arg1: i32, %arg2: memref<10000x128xf32, #tpu.memory_space<hbm>>, %arg3: memref<160x2000xi32, #tpu.memory_space<hbm>>, %arg4: memref<32x5x25x80xi32, #tpu.memory_space<hbm>>, %arg5: memref<2x10000x128xf32, #tpu.memory_space<hbm>>, %arg6: memref<2x10240xf32, #tpu.memory_space<hbm>>, %arg7: memref<2000xi32, #tpu.memory_space<vmem>>, %arg8: memref<25x80xi32, #tpu.memory_space<vmem>>, %arg9: memref<80x128xf32, #tpu.memory_space<vmem>>, %arg10: memref<80x128xf32, #tpu.memory_space<vmem>>, %arg11: memref<80x128xf32, #tpu.memory_space<vmem>>, %arg12: memref<10240xf32, #tpu.memory_space<vmem>>, %arg13: memref<640xf32, #tpu.memory_space<vmem>>, %arg14: memref<640xf32, #tpu.memory_space<vmem>>, %arg15: memref<10000x128xf32, #tpu.memory_space<vmem_shared>>, %arg16: memref<16x640xf32, #tpu.memory_space<vmem_shared>>, %arg17: memref<!tpu.dma_semaphore, #tpu.memory_space<semaphore_mem>>, %arg18: memref<!tpu.dma_semaphore, #tpu.memory_space<semaphore_mem>>, %arg19: memref<!tpu.dma_semaphore, #tpu.memory_space<semaphore_mem>>, %arg20: memref<!tpu.dma_semaphore, #tpu.memory_space<semaphore_mem>>, %arg21: memref<!tpu.dma_semaphore, #tpu.memory_space<semaphore_mem>>, %arg22: memref<!tpu.dma_semaphore, #tpu.memory_space<semaphore_mem>>) attributes {dimension_semantics = [#tpu.dimension_semantics<core_parallel>, #tpu.dimension_semantics<subcore_parallel>], iteration_bounds = array<i64: 2, 16>, scalar_prefetch = 0 : i64, scratch_operands = 16 : i64, tpu.core_type = #tpu.core_type<sc_vector_subcore>, window_params = [{transform_indices = #map}, {transform_indices = #map}, {transform_indices = #map1}, {transform_indices = #map2}, {transform_indices = #map}]} {
    %mul3A = arith.constant 2 : i32
    %mul3A_0 = arith.muli %arg1, %mul3A : i32
    %add3A = arith.addi %mul3A_0, %arg0 : i32
    %broadcast_in_dim3A = arith.constant 0.000000e+00 : f32
    %broadcast_in_dim3A_1 = vector.broadcast %broadcast_in_dim3A : f32 to vector<16xf32>
    %scan3A = arith.constant 0 : i32
    %scan3A_2 = arith.constant 0 : i32
    %scan3A_3 = arith.constant 160 : i32
    %scan3A_4 = arith.addi %scan3A_2, %scan3A_3 : i32
    %scan3A_5 = arith.constant 1 : i32
    %scan3A_6 = scf.for %scan3A_119 = %scan3A_2 to %scan3A_4 step %scan3A_5 iter_args(%scan3A_120 = %scan3A) -> (i32)  : i32 {
      %mul3A_121 = arith.constant 64 : i32
      %mul3A_122 = arith.muli %scan3A_119, %mul3A_121 : i32
      %add3A_123 = arith.constant 0 : i32
      %add3A_124 = arith.addi %mul3A_122, %add3A_123 : i32
      %swap3A_125 = arith.index_cast %add3A_124 : i32 to index
      %swap3A_126 = tpu.vector_load %arg12[%swap3A_125] {strides = array<i32>} : memref<10240xf32, #tpu.memory_space<vmem>>, vector<16xf32>,
      tpu.vector_store %arg12[%swap3A_125], %broadcast_in_dim3A_1 {strides = array<i32>} : memref<10240xf32, #tpu.memory_space<vmem>>, vector<16xf32>,
      %mul3A_127 = arith.constant 64 : i32
      %mul3A_128 = arith.muli %scan3A_119, %mul3A_127 : i32
      %add3A_129 = arith.constant 16 : i32
      %add3A_130 = arith.addi %mul3A_128, %add3A_129 : i32
      %swap3A_131 = arith.index_cast %add3A_130 : i32 to index
      %swap3A_132 = tpu.vector_load %arg12[%swap3A_131] {strides = array<i32>} : memref<10240xf32, #tpu.memory_space<vmem>>, vector<16xf32>,
      tpu.vector_store %arg12[%swap3A_131], %broadcast_in_dim3A_1 {strides = array<i32>} : memref<10240xf32, #tpu.memory_space<vmem>>, vector<16xf32>,
      %mul3A_133 = arith.constant 64 : i32
      %mul3A_134 = arith.muli %scan3A_119, %mul3A_133 : i32
      %add3A_135 = arith.constant 32 : i32
      %add3A_136 = arith.addi %mul3A_134, %add3A_135 : i32
      %swap3A_137 = arith.index_cast %add3A_136 : i32 to index
      %swap3A_138 = tpu.vector_load %arg12[%swap3A_137] {strides = array<i32>} : memref<10240xf32, #tpu.memory_space<vmem>>, vector<16xf32>,
      tpu.vector_store %arg12[%swap3A_137], %broadcast_in_dim3A_1 {strides = array<i32>} : memref<10240xf32, #tpu.memory_space<vmem>>, vector<16xf32>,
      %mul3A_139 = arith.constant 64 : i32
      %mul3A_140 = arith.muli %scan3A_119, %mul3A_139 : i32
      %add3A_141 = arith.constant 48 : i32
      %add3A_142 = arith.addi %mul3A_140, %add3A_141 : i32
      %swap3A_143 = arith.index_cast %add3A_142 : i32 to index
      %swap3A_144 = tpu.vector_load %arg12[%swap3A_143] {strides = array<i32>} : memref<10240xf32, #tpu.memory_space<vmem>>, vector<16xf32>,
      tpu.vector_store %arg12[%swap3A_143], %broadcast_in_dim3A_1 {strides = array<i32>} : memref<10240xf32, #tpu.memory_space<vmem>>, vector<16xf32>,
      %scan3A_145 = arith.constant 0 : i32
      scf.yield %scan3A_145 : i32
    }
    %scan3A_7 = arith.constant 160 : i32
    %swap3A = arith.constant 0 : index
    %swap3A_8 = tpu.vector_load %arg13[%swap3A] {strides = array<i32>} : memref<640xf32, #tpu.memory_space<vmem>>, vector<16xf32>,
    tpu.vector_store %arg13[%swap3A], %broadcast_in_dim3A_1 {strides = array<i32>} : memref<640xf32, #tpu.memory_space<vmem>>, vector<16xf32>,
    %swap3A_9 = arith.constant 16 : index
    %swap3A_10 = tpu.vector_load %arg13[%swap3A_9] {strides = array<i32>} : memref<640xf32, #tpu.memory_space<vmem>>, vector<16xf32>,
    tpu.vector_store %arg13[%swap3A_9], %broadcast_in_dim3A_1 {strides = array<i32>} : memref<640xf32, #tpu.memory_space<vmem>>, vector<16xf32>,
    %swap3A_11 = arith.constant 32 : index
    %swap3A_12 = tpu.vector_load %arg13[%swap3A_11] {strides = array<i32>} : memref<640xf32, #tpu.memory_space<vmem>>, vector<16xf32>,
    tpu.vector_store %arg13[%swap3A_11], %broadcast_in_dim3A_1 {strides = array<i32>} : memref<640xf32, #tpu.memory_space<vmem>>, vector<16xf32>,
    %swap3A_13 = arith.constant 48 : index
    %swap3A_14 = tpu.vector_load %arg13[%swap3A_13] {strides = array<i32>} : memref<640xf32, #tpu.memory_space<vmem>>, vector<16xf32>,
    tpu.vector_store %arg13[%swap3A_13], %broadcast_in_dim3A_1 {strides = array<i32>} : memref<640xf32, #tpu.memory_space<vmem>>, vector<16xf32>,
    %swap3A_15 = arith.constant 64 : index
    %swap3A_16 = tpu.vector_load %arg13[%swap3A_15] {strides = array<i32>} : memref<640xf32, #tpu.memory_space<vmem>>, vector<16xf32>,
    tpu.vector_store %arg13[%swap3A_15], %broadcast_in_dim3A_1 {strides = array<i32>} : memref<640xf32, #tpu.memory_space<vmem>>, vector<16xf32>,
    %swap3A_17 = arith.constant 80 : index
    %swap3A_18 = tpu.vector_load %arg13[%swap3A_17] {strides = array<i32>} : memref<640xf32, #tpu.memory_space<vmem>>, vector<16xf32>,
    tpu.vector_store %arg13[%swap3A_17], %broadcast_in_dim3A_1 {strides = array<i32>} : memref<640xf32, #tpu.memory_space<vmem>>, vector<16xf32>,
    %swap3A_19 = arith.constant 96 : index
    %swap3A_20 = tpu.vector_load %arg13[%swap3A_19] {strides = array<i32>} : memref<640xf32, #tpu.memory_space<vmem>>, vector<16xf32>,
    tpu.vector_store %arg13[%swap3A_19], %broadcast_in_dim3A_1 {strides = array<i32>} : memref<640xf32, #tpu.memory_space<vmem>>, vector<16xf32>,
    %swap3A_21 = arith.constant 112 : index
    %swap3A_22 = tpu.vector_load %arg13[%swap3A_21] {strides = array<i32>} : memref<640xf32, #tpu.memory_space<vmem>>, vector<16xf32>,
    tpu.vector_store %arg13[%swap3A_21], %broadcast_in_dim3A_1 {strides = array<i32>} : memref<640xf32, #tpu.memory_space<vmem>>, vector<16xf32>,
    %swap3A_23 = arith.constant 128 : index
    %swap3A_24 = tpu.vector_load %arg13[%swap3A_23] {strides = array<i32>} : memref<640xf32, #tpu.memory_space<vmem>>, vector<16xf32>,
    tpu.vector_store %arg13[%swap3A_23], %broadcast_in_dim3A_1 {strides = array<i32>} : memref<640xf32, #tpu.memory_space<vmem>>, vector<16xf32>,
    %swap3A_25 = arith.constant 144 : index
    %swap3A_26 = tpu.vector_load %arg13[%swap3A_25] {strides = array<i32>} : memref<640xf32, #tpu.memory_space<vmem>>, vector<16xf32>,
    tpu.vector_store %arg13[%swap3A_25], %broadcast_in_dim3A_1 {strides = array<i32>} : memref<640xf32, #tpu.memory_space<vmem>>, vector<16xf32>,
    %swap3A_27 = arith.constant 160 : index
    %swap3A_28 = tpu.vector_load %arg13[%swap3A_27] {strides = array<i32>} : memref<640xf32, #tpu.memory_space<vmem>>, vector<16xf32>,
    tpu.vector_store %arg13[%swap3A_27], %broadcast_in_dim3A_1 {strides = array<i32>} : memref<640xf32, #tpu.memory_space<vmem>>, vector<16xf32>,
    %swap3A_29 = arith.constant 176 : index
    %swap3A_30 = tpu.vector_load %arg13[%swap3A_29] {strides = array<i32>} : memref<640xf32, #tpu.memory_space<vmem>>, vector<16xf32>,
    tpu.vector_store %arg13[%swap3A_29], %broadcast_in_dim3A_1 {strides = array<i32>} : memref<640xf32, #tpu.memory_space<vmem>>, vector<16xf32>,
    %swap3A_31 = arith.constant 192 : index
    %swap3A_32 = tpu.vector_load %arg13[%swap3A_31] {strides = array<i32>} : memref<640xf32, #tpu.memory_space<vmem>>, vector<16xf32>,
    tpu.vector_store %arg13[%swap3A_31], %broadcast_in_dim3A_1 {strides = array<i32>} : memref<640xf32, #tpu.memory_space<vmem>>, vector<16xf32>,
    %swap3A_33 = arith.constant 208 : index
    %swap3A_34 = tpu.vector_load %arg13[%swap3A_33] {strides = array<i32>} : memref<640xf32, #tpu.memory_space<vmem>>, vector<16xf32>,
    tpu.vector_store %arg13[%swap3A_33], %broadcast_in_dim3A_1 {strides = array<i32>} : memref<640xf32, #tpu.memory_space<vmem>>, vector<16xf32>,
    %swap3A_35 = arith.constant 224 : index
    %swap3A_36 = tpu.vector_load %arg13[%swap3A_35] {strides = array<i32>} : memref<640xf32, #tpu.memory_space<vmem>>, vector<16xf32>,
    tpu.vector_store %arg13[%swap3A_35], %broadcast_in_dim3A_1 {strides = array<i32>} : memref<640xf32, #tpu.memory_space<vmem>>, vector<16xf32>,
    %swap3A_37 = arith.constant 240 : index
    %swap3A_38 = tpu.vector_load %arg13[%swap3A_37] {strides = array<i32>} : memref<640xf32, #tpu.memory_space<vmem>>, vector<16xf32>,
    tpu.vector_store %arg13[%swap3A_37], %broadcast_in_dim3A_1 {strides = array<i32>} : memref<640xf32, #tpu.memory_space<vmem>>, vector<16xf32>,
    %swap3A_39 = arith.constant 256 : index
    %swap3A_40 = tpu.vector_load %arg13[%swap3A_39] {strides = array<i32>} : memref<640xf32, #tpu.memory_space<vmem>>, vector<16xf32>,
    tpu.vector_store %arg13[%swap3A_39], %broadcast_in_dim3A_1 {strides = array<i32>} : memref<640xf32, #tpu.memory_space<vmem>>, vector<16xf32>,
    %swap3A_41 = arith.constant 272 : index
    %swap3A_42 = tpu.vector_load %arg13[%swap3A_41] {strides = array<i32>} : memref<640xf32, #tpu.memory_space<vmem>>, vector<16xf32>,
    tpu.vector_store %arg13[%swap3A_41], %broadcast_in_dim3A_1 {strides = array<i32>} : memref<640xf32, #tpu.memory_space<vmem>>, vector<16xf32>,
    %swap3A_43 = arith.constant 288 : index
    %swap3A_44 = tpu.vector_load %arg13[%swap3A_43] {strides = array<i32>} : memref<640xf32, #tpu.memory_space<vmem>>, vector<16xf32>,
    tpu.vector_store %arg13[%swap3A_43], %broadcast_in_dim3A_1 {strides = array<i32>} : memref<640xf32, #tpu.memory_space<vmem>>, vector<16xf32>,
    %swap3A_45 = arith.constant 304 : index
    %swap3A_46 = tpu.vector_load %arg13[%swap3A_45] {strides = array<i32>} : memref<640xf32, #tpu.memory_space<vmem>>, vector<16xf32>,
    tpu.vector_store %arg13[%swap3A_45], %broadcast_in_dim3A_1 {strides = array<i32>} : memref<640xf32, #tpu.memory_space<vmem>>, vector<16xf32>,
    %swap3A_47 = arith.constant 320 : index
    %swap3A_48 = tpu.vector_load %arg13[%swap3A_47] {strides = array<i32>} : memref<640xf32, #tpu.memory_space<vmem>>, vector<16xf32>,
    tpu.vector_store %arg13[%swap3A_47], %broadcast_in_dim3A_1 {strides = array<i32>} : memref<640xf32, #tpu.memory_space<vmem>>, vector<16xf32>,
    %swap3A_49 = arith.constant 336 : index
    %swap3A_50 = tpu.vector_load %arg13[%swap3A_49] {strides = array<i32>} : memref<640xf32, #tpu.memory_space<vmem>>, vector<16xf32>,
    tpu.vector_store %arg13[%swap3A_49], %broadcast_in_dim3A_1 {strides = array<i32>} : memref<640xf32, #tpu.memory_space<vmem>>, vector<16xf32>,
    %swap3A_51 = arith.constant 352 : index
    %swap3A_52 = tpu.vector_load %arg13[%swap3A_51] {strides = array<i32>} : memref<640xf32, #tpu.memory_space<vmem>>, vector<16xf32>,
    tpu.vector_store %arg13[%swap3A_51], %broadcast_in_dim3A_1 {strides = array<i32>} : memref<640xf32, #tpu.memory_space<vmem>>, vector<16xf32>,
    %swap3A_53 = arith.constant 368 : index
    %swap3A_54 = tpu.vector_load %arg13[%swap3A_53] {strides = array<i32>} : memref<640xf32, #tpu.memory_space<vmem>>, vector<16xf32>,
    tpu.vector_store %arg13[%swap3A_53], %broadcast_in_dim3A_1 {strides = array<i32>} : memref<640xf32, #tpu.memory_space<vmem>>, vector<16xf32>,
    %swap3A_55 = arith.constant 384 : index
    %swap3A_56 = tpu.vector_load %arg13[%swap3A_55] {strides = array<i32>} : memref<640xf32, #tpu.memory_space<vmem>>, vector<16xf32>,
    tpu.vector_store %arg13[%swap3A_55], %broadcast_in_dim3A_1 {strides = array<i32>} : memref<640xf32, #tpu.memory_space<vmem>>, vector<16xf32>,
    %swap3A_57 = arith.constant 400 : index
    %swap3A_58 = tpu.vector_load %arg13[%swap3A_57] {strides = array<i32>} : memref<640xf32, #tpu.memory_space<vmem>>, vector<16xf32>,
    tpu.vector_store %arg13[%swap3A_57], %broadcast_in_dim3A_1 {strides = array<i32>} : memref<640xf32, #tpu.memory_space<vmem>>, vector<16xf32>,
    %swap3A_59 = arith.constant 416 : index
    %swap3A_60 = tpu.vector_load %arg13[%swap3A_59] {strides = array<i32>} : memref<640xf32, #tpu.memory_space<vmem>>, vector<16xf32>,
    tpu.vector_store %arg13[%swap3A_59], %broadcast_in_dim3A_1 {strides = array<i32>} : memref<640xf32, #tpu.memory_space<vmem>>, vector<16xf32>,
    %swap3A_61 = arith.constant 432 : index
    %swap3A_62 = tpu.vector_load %arg13[%swap3A_61] {strides = array<i32>} : memref<640xf32, #tpu.memory_space<vmem>>, vector<16xf32>,
    tpu.vector_store %arg13[%swap3A_61], %broadcast_in_dim3A_1 {strides = array<i32>} : memref<640xf32, #tpu.memory_space<vmem>>, vector<16xf32>,
    %swap3A_63 = arith.constant 448 : index
    %swap3A_64 = tpu.vector_load %arg13[%swap3A_63] {strides = array<i32>} : memref<640xf32, #tpu.memory_space<vmem>>, vector<16xf32>,
    tpu.vector_store %arg13[%swap3A_63], %broadcast_in_dim3A_1 {strides = array<i32>} : memref<640xf32, #tpu.memory_space<vmem>>, vector<16xf32>,
    %swap3A_65 = arith.constant 464 : index
    %swap3A_66 = tpu.vector_load %arg13[%swap3A_65] {strides = array<i32>} : memref<640xf32, #tpu.memory_space<vmem>>, vector<16xf32>,
    tpu.vector_store %arg13[%swap3A_65], %broadcast_in_dim3A_1 {strides = array<i32>} : memref<640xf32, #tpu.memory_space<vmem>>, vector<16xf32>,
    %swap3A_67 = arith.constant 480 : index
    %swap3A_68 = tpu.vector_load %arg13[%swap3A_67] {strides = array<i32>} : memref<640xf32, #tpu.memory_space<vmem>>, vector<16xf32>,
    tpu.vector_store %arg13[%swap3A_67], %broadcast_in_dim3A_1 {strides = array<i32>} : memref<640xf32, #tpu.memory_space<vmem>>, vector<16xf32>,
    %swap3A_69 = arith.constant 496 : index
    %swap3A_70 = tpu.vector_load %arg13[%swap3A_69] {strides = array<i32>} : memref<640xf32, #tpu.memory_space<vmem>>, vector<16xf32>,
    tpu.vector_store %arg13[%swap3A_69], %broadcast_in_dim3A_1 {strides = array<i32>} : memref<640xf32, #tpu.memory_space<vmem>>, vector<16xf32>,
    %swap3A_71 = arith.constant 512 : index
    %swap3A_72 = tpu.vector_load %arg13[%swap3A_71] {strides = array<i32>} : memref<640xf32, #tpu.memory_space<vmem>>, vector<16xf32>,
    tpu.vector_store %arg13[%swap3A_71], %broadcast_in_dim3A_1 {strides = array<i32>} : memref<640xf32, #tpu.memory_space<vmem>>, vector<16xf32>,
    %swap3A_73 = arith.constant 528 : index
    %swap3A_74 = tpu.vector_load %arg13[%swap3A_73] {strides = array<i32>} : memref<640xf32, #tpu.memory_space<vmem>>, vector<16xf32>,
    tpu.vector_store %arg13[%swap3A_73], %broadcast_in_dim3A_1 {strides = array<i32>} : memref<640xf32, #tpu.memory_space<vmem>>, vector<16xf32>,
    %swap3A_75 = arith.constant 544 : index
    %swap3A_76 = tpu.vector_load %arg13[%swap3A_75] {strides = array<i32>} : memref<640xf32, #tpu.memory_space<vmem>>, vector<16xf32>,
    tpu.vector_store %arg13[%swap3A_75], %broadcast_in_dim3A_1 {strides = array<i32>} : memref<640xf32, #tpu.memory_space<vmem>>, vector<16xf32>,
    %swap3A_77 = arith.constant 560 : index
    %swap3A_78 = tpu.vector_load %arg13[%swap3A_77] {strides = array<i32>} : memref<640xf32, #tpu.memory_space<vmem>>, vector<16xf32>,
    tpu.vector_store %arg13[%swap3A_77], %broadcast_in_dim3A_1 {strides = array<i32>} : memref<640xf32, #tpu.memory_space<vmem>>, vector<16xf32>,
    %swap3A_79 = arith.constant 576 : index
    %swap3A_80 = tpu.vector_load %arg13[%swap3A_79] {strides = array<i32>} : memref<640xf32, #tpu.memory_space<vmem>>, vector<16xf32>,
    tpu.vector_store %arg13[%swap3A_79], %broadcast_in_dim3A_1 {strides = array<i32>} : memref<640xf32, #tpu.memory_space<vmem>>, vector<16xf32>,
    %swap3A_81 = arith.constant 592 : index
    %swap3A_82 = tpu.vector_load %arg13[%swap3A_81] {strides = array<i32>} : memref<640xf32, #tpu.memory_space<vmem>>, vector<16xf32>,
    tpu.vector_store %arg13[%swap3A_81], %broadcast_in_dim3A_1 {strides = array<i32>} : memref<640xf32, #tpu.memory_space<vmem>>, vector<16xf32>,
    %swap3A_83 = arith.constant 608 : index
    %swap3A_84 = tpu.vector_load %arg13[%swap3A_83] {strides = array<i32>} : memref<640xf32, #tpu.memory_space<vmem>>, vector<16xf32>,
    tpu.vector_store %arg13[%swap3A_83], %broadcast_in_dim3A_1 {strides = array<i32>} : memref<640xf32, #tpu.memory_space<vmem>>, vector<16xf32>,
    %swap3A_85 = arith.constant 624 : index
    %swap3A_86 = tpu.vector_load %arg13[%swap3A_85] {strides = array<i32>} : memref<640xf32, #tpu.memory_space<vmem>>, vector<16xf32>,
    tpu.vector_store %arg13[%swap3A_85], %broadcast_in_dim3A_1 {strides = array<i32>} : memref<640xf32, #tpu.memory_space<vmem>>, vector<16xf32>,
    %scan3A_87 = arith.constant 0 : i32
    %scan3A_88 = arith.constant 0 : i32
    %scan3A_89 = arith.constant 80 : i32
    %scan3A_90 = arith.addi %scan3A_88, %scan3A_89 : i32
    %scan3A_91 = arith.constant 1 : i32
    %scan3A_92 = scf.for %scan3A_119 = %scan3A_88 to %scan3A_90 step %scan3A_91 iter_args(%scan3A_120 = %scan3A_87) -> (i32)  : i32 {
      %swap3A_121 = arith.index_cast %scan3A_119 : i32 to index
      %swap3A_122 = arith.constant 0 : index
      %swap3A_123 = tpu.vector_load %arg9[%swap3A_121, %swap3A_122] {strides = array<i32>} : memref<80x128xf32, #tpu.memory_space<vmem>>, vector<16xf32>,
      tpu.vector_store %arg9[%swap3A_121, %swap3A_122], %broadcast_in_dim3A_1 {strides = array<i32>} : memref<80x128xf32, #tpu.memory_space<vmem>>, vector<16xf32>,
      %swap3A_124 = arith.index_cast %scan3A_119 : i32 to index
      %swap3A_125 = arith.constant 16 : index
      %swap3A_126 = tpu.vector_load %arg9[%swap3A_124, %swap3A_125] {strides = array<i32>} : memref<80x128xf32, #tpu.memory_space<vmem>>, vector<16xf32>,
      tpu.vector_store %arg9[%swap3A_124, %swap3A_125], %broadcast_in_dim3A_1 {strides = array<i32>} : memref<80x128xf32, #tpu.memory_space<vmem>>, vector<16xf32>,
      %swap3A_127 = arith.index_cast %scan3A_119 : i32 to index
      %swap3A_128 = arith.constant 32 : index
      %swap3A_129 = tpu.vector_load %arg9[%swap3A_127, %swap3A_128] {strides = array<i32>} : memref<80x128xf32, #tpu.memory_space<vmem>>, vector<16xf32>,
      tpu.vector_store %arg9[%swap3A_127, %swap3A_128], %broadcast_in_dim3A_1 {strides = array<i32>} : memref<80x128xf32, #tpu.memory_space<vmem>>, vector<16xf32>,
      %swap3A_130 = arith.index_cast %scan3A_119 : i32 to index
      %swap3A_131 = arith.constant 48 : index
      %swap3A_132 = tpu.vector_load %arg9[%swap3A_130, %swap3A_131] {strides = array<i32>} : memref<80x128xf32, #tpu.memory_space<vmem>>, vector<16xf32>,
      tpu.vector_store %arg9[%swap3A_130, %swap3A_131], %broadcast_in_dim3A_1 {strides = array<i32>} : memref<80x128xf32, #tpu.memory_space<vmem>>, vector<16xf32>,
      %swap3A_133 = arith.index_cast %scan3A_119 : i32 to index
      %swap3A_134 = arith.constant 64 : index
      %swap3A_135 = tpu.vector_load %arg9[%swap3A_133, %swap3A_134] {strides = array<i32>} : memref<80x128xf32, #tpu.memory_space<vmem>>, vector<16xf32>,
      tpu.vector_store %arg9[%swap3A_133, %swap3A_134], %broadcast_in_dim3A_1 {strides = array<i32>} : memref<80x128xf32, #tpu.memory_space<vmem>>, vector<16xf32>,
      %swap3A_136 = arith.index_cast %scan3A_119 : i32 to index
      %swap3A_137 = arith.constant 80 : index
      %swap3A_138 = tpu.vector_load %arg9[%swap3A_136, %swap3A_137] {strides = array<i32>} : memref<80x128xf32, #tpu.memory_space<vmem>>, vector<16xf32>,
      tpu.vector_store %arg9[%swap3A_136, %swap3A_137], %broadcast_in_dim3A_1 {strides = array<i32>} : memref<80x128xf32, #tpu.memory_space<vmem>>, vector<16xf32>,
      %swap3A_139 = arith.index_cast %scan3A_119 : i32 to index
      %swap3A_140 = arith.constant 96 : index
      %swap3A_141 = tpu.vector_load %arg9[%swap3A_139, %swap3A_140] {strides = array<i32>} : memref<80x128xf32, #tpu.memory_space<vmem>>, vector<16xf32>,
      tpu.vector_store %arg9[%swap3A_139, %swap3A_140], %broadcast_in_dim3A_1 {strides = array<i32>} : memref<80x128xf32, #tpu.memory_space<vmem>>, vector<16xf32>,
      %swap3A_142 = arith.index_cast %scan3A_119 : i32 to index
      %swap3A_143 = arith.constant 112 : index
      %swap3A_144 = tpu.vector_load %arg9[%swap3A_142, %swap3A_143] {strides = array<i32>} : memref<80x128xf32, #tpu.memory_space<vmem>>, vector<16xf32>,
      tpu.vector_store %arg9[%swap3A_142, %swap3A_143], %broadcast_in_dim3A_1 {strides = array<i32>} : memref<80x128xf32, #tpu.memory_space<vmem>>, vector<16xf32>,
      %scan3A_145 = arith.constant 0 : i32
      scf.yield %scan3A_145 : i32
    }
    %scan3A_93 = arith.constant 80 : i32
    %lt3A = arith.constant 10 : i32
    %lt3A_94 = arith.cmpi slt, %arg1, %lt3A : i32
    %convert_element_type3A = arith.extui %lt3A_94 : i1 to i32
    %cond3A = arith.constant 0 : i32
    %cond3A_95 = arith.cmpi ne, %convert_element_type3A, %cond3A : i32
    scf.if %cond3A_95 {
      %mul3A_119 = arith.constant 1000 : i32
      %mul3A_120 = arith.muli %arg1, %mul3A_119 : i32
      %add3A_121 = arith.constant 0 : i32
      %add3A_122 = arith.addi %mul3A_120, %add3A_121 : i32
      "tpu.region"() ({
        %run_scoped3A = tpu.sem_alloc : memref<!tpu.dma_semaphore, #tpu.memory_space<semaphore_mem>>
        %dma_start3A = arith.constant 0 : i32
        %dma_start3A_172 = tpu.memref_slice %arg15[%add3A_122, %dma_start3A] : memref<10000x128xf32, #tpu.memory_space<vmem_shared>> -> memref<80x128xf32, #tpu.memory_space<vmem_shared>>
        %dma_start3A_173 = arith.constant 0 : i32
        %dma_start3A_174 = tpu.memref_slice %arg15[%add3A_122, %dma_start3A_173] : memref<10000x128xf32, #tpu.memory_space<vmem_shared>> -> memref<80x128xf32, #tpu.memory_space<vmem_shared>>
        tpu.enqueue_dma source(%arg9 : memref<80x128xf32, #tpu.memory_space<vmem>>) target(%dma_start3A_174 : memref<80x128xf32, #tpu.memory_space<vmem_shared>>) target_semaphore(%run_scoped3A : memref<!tpu.dma_semaphore, #tpu.memory_space<semaphore_mem>>)
        %dma_wait3A = arith.constant 0 : i32
        %dma_wait3A_175 = tpu.memref_slice %arg15[%add3A_122, %dma_wait3A] : memref<10000x128xf32, #tpu.memory_space<vmem_shared>> -> memref<80x128xf32, #tpu.memory_space<vmem_shared>>
        %dma_wait3A_176 = arith.constant 0 : i32
        %dma_wait3A_177 = tpu.memref_slice %arg15[%add3A_122, %dma_wait3A_176] : memref<10000x128xf32, #tpu.memory_space<vmem_shared>> -> memref<80x128xf32, #tpu.memory_space<vmem_shared>>
        tpu.wait_dma2 semaphore(%run_scoped3A : memref<!tpu.dma_semaphore, #tpu.memory_space<semaphore_mem>>) src(%arg9 : memref<80x128xf32, #tpu.memory_space<vmem>>) dst(%dma_wait3A_177 : memref<80x128xf32, #tpu.memory_space<vmem_shared>>)
        tpu.yield
      }) : () -> ()
      %mul3A_123 = arith.constant 1000 : i32
      %mul3A_124 = arith.muli %arg1, %mul3A_123 : i32
      %add3A_125 = arith.constant 80 : i32
      %add3A_126 = arith.addi %mul3A_124, %add3A_125 : i32
      "tpu.region"() ({
        %run_scoped3A = tpu.sem_alloc : memref<!tpu.dma_semaphore, #tpu.memory_space<semaphore_mem>>
        %dma_start3A = arith.constant 0 : i32
        %dma_start3A_172 = tpu.memref_slice %arg15[%add3A_126, %dma_start3A] : memref<10000x128xf32, #tpu.memory_space<vmem_shared>> -> memref<80x128xf32, #tpu.memory_space<vmem_shared>>
        %dma_start3A_173 = arith.constant 0 : i32
        %dma_start3A_174 = tpu.memref_slice %arg15[%add3A_126, %dma_start3A_173] : memref<10000x128xf32, #tpu.memory_space<vmem_shared>> -> memref<80x128xf32, #tpu.memory_space<vmem_shared>>
        tpu.enqueue_dma source(%arg9 : memref<80x128xf32, #tpu.memory_space<vmem>>) target(%dma_start3A_174 : memref<80x128xf32, #tpu.memory_space<vmem_shared>>) target_semaphore(%run_scoped3A : memref<!tpu.dma_semaphore, #tpu.memory_space<semaphore_mem>>)
        %dma_wait3A = arith.constant 0 : i32
        %dma_wait3A_175 = tpu.memref_slice %arg15[%add3A_126, %dma_wait3A] : memref<10000x128xf32, #tpu.memory_space<vmem_shared>> -> memref<80x128xf32, #tpu.memory_space<vmem_shared>>
        %dma_wait3A_176 = arith.constant 0 : i32
        %dma_wait3A_177 = tpu.memref_slice %arg15[%add3A_126, %dma_wait3A_176] : memref<10000x128xf32, #tpu.memory_space<vmem_shared>> -> memref<80x128xf32, #tpu.memory_space<vmem_shared>>
        tpu.wait_dma2 semaphore(%run_scoped3A : memref<!tpu.dma_semaphore, #tpu.memory_space<semaphore_mem>>) src(%arg9 : memref<80x128xf32, #tpu.memory_space<vmem>>) dst(%dma_wait3A_177 : memref<80x128xf32, #tpu.memory_space<vmem_shared>>)
        tpu.yield
      }) : () -> ()
      %mul3A_127 = arith.constant 1000 : i32
      %mul3A_128 = arith.muli %arg1, %mul3A_127 : i32
      %add3A_129 = arith.constant 160 : i32
      %add3A_130 = arith.addi %mul3A_128, %add3A_129 : i32
      "tpu.region"() ({
        %run_scoped3A = tpu.sem_alloc : memref<!tpu.dma_semaphore, #tpu.memory_space<semaphore_mem>>
        %dma_start3A = arith.constant 0 : i32
        %dma_start3A_172 = tpu.memref_slice %arg15[%add3A_130, %dma_start3A] : memref<10000x128xf32, #tpu.memory_space<vmem_shared>> -> memref<80x128xf32, #tpu.memory_space<vmem_shared>>
        %dma_start3A_173 = arith.constant 0 : i32
        %dma_start3A_174 = tpu.memref_slice %arg15[%add3A_130, %dma_start3A_173] : memref<10000x128xf32, #tpu.memory_space<vmem_shared>> -> memref<80x128xf32, #tpu.memory_space<vmem_shared>>
        tpu.enqueue_dma source(%arg9 : memref<80x128xf32, #tpu.memory_space<vmem>>) target(%dma_start3A_174 : memref<80x128xf32, #tpu.memory_space<vmem_shared>>) target_semaphore(%run_scoped3A : memref<!tpu.dma_semaphore, #tpu.memory_space<semaphore_mem>>)
        %dma_wait3A = arith.constant 0 : i32
        %dma_wait3A_175 = tpu.memref_slice %arg15[%add3A_130, %dma_wait3A] : memref<10000x128xf32, #tpu.memory_space<vmem_shared>> -> memref<80x128xf32, #tpu.memory_space<vmem_shared>>
        %dma_wait3A_176 = arith.constant 0 : i32
        %dma_wait3A_177 = tpu.memref_slice %arg15[%add3A_130, %dma_wait3A_176] : memref<10000x128xf32, #tpu.memory_space<vmem_shared>> -> memref<80x128xf32, #tpu.memory_space<vmem_shared>>
        tpu.wait_dma2 semaphore(%run_scoped3A : memref<!tpu.dma_semaphore, #tpu.memory_space<semaphore_mem>>) src(%arg9 : memref<80x128xf32, #tpu.memory_space<vmem>>) dst(%dma_wait3A_177 : memref<80x128xf32, #tpu.memory_space<vmem_shared>>)
        tpu.yield
      }) : () -> ()
      %mul3A_131 = arith.constant 1000 : i32
      %mul3A_132 = arith.muli %arg1, %mul3A_131 : i32
      %add3A_133 = arith.constant 240 : i32
      %add3A_134 = arith.addi %mul3A_132, %add3A_133 : i32
      "tpu.region"() ({
        %run_scoped3A = tpu.sem_alloc : memref<!tpu.dma_semaphore, #tpu.memory_space<semaphore_mem>>
        %dma_start3A = arith.constant 0 : i32
        %dma_start3A_172 = tpu.memref_slice %arg15[%add3A_134, %dma_start3A] : memref<10000x128xf32, #tpu.memory_space<vmem_shared>> -> memref<80x128xf32, #tpu.memory_space<vmem_shared>>
        %dma_start3A_173 = arith.constant 0 : i32
        %dma_start3A_174 = tpu.memref_slice %arg15[%add3A_134, %dma_start3A_173] : memref<10000x128xf32, #tpu.memory_space<vmem_shared>> -> memref<80x128xf32, #tpu.memory_space<vmem_shared>>
        tpu.enqueue_dma source(%arg9 : memref<80x128xf32, #tpu.memory_space<vmem>>) target(%dma_start3A_174 : memref<80x128xf32, #tpu.memory_space<vmem_shared>>) target_semaphore(%run_scoped3A : memref<!tpu.dma_semaphore, #tpu.memory_space<semaphore_mem>>)
        %dma_wait3A = arith.constant 0 : i32
        %dma_wait3A_175 = tpu.memref_slice %arg15[%add3A_134, %dma_wait3A] : memref<10000x128xf32, #tpu.memory_space<vmem_shared>> -> memref<80x128xf32, #tpu.memory_space<vmem_shared>>
        %dma_wait3A_176 = arith.constant 0 : i32
        %dma_wait3A_177 = tpu.memref_slice %arg15[%add3A_134, %dma_wait3A_176] : memref<10000x128xf32, #tpu.memory_space<vmem_shared>> -> memref<80x128xf32, #tpu.memory_space<vmem_shared>>
        tpu.wait_dma2 semaphore(%run_scoped3A : memref<!tpu.dma_semaphore, #tpu.memory_space<semaphore_mem>>) src(%arg9 : memref<80x128xf32, #tpu.memory_space<vmem>>) dst(%dma_wait3A_177 : memref<80x128xf32, #tpu.memory_space<vmem_shared>>)
        tpu.yield
      }) : () -> ()
      %mul3A_135 = arith.constant 1000 : i32
      %mul3A_136 = arith.muli %arg1, %mul3A_135 : i32
      %add3A_137 = arith.constant 320 : i32
      %add3A_138 = arith.addi %mul3A_136, %add3A_137 : i32
      "tpu.region"() ({
        %run_scoped3A = tpu.sem_alloc : memref<!tpu.dma_semaphore, #tpu.memory_space<semaphore_mem>>
        %dma_start3A = arith.constant 0 : i32
        %dma_start3A_172 = tpu.memref_slice %arg15[%add3A_138, %dma_start3A] : memref<10000x128xf32, #tpu.memory_space<vmem_shared>> -> memref<80x128xf32, #tpu.memory_space<vmem_shared>>
        %dma_start3A_173 = arith.constant 0 : i32
        %dma_start3A_174 = tpu.memref_slice %arg15[%add3A_138, %dma_start3A_173] : memref<10000x128xf32, #tpu.memory_space<vmem_shared>> -> memref<80x128xf32, #tpu.memory_space<vmem_shared>>
        tpu.enqueue_dma source(%arg9 : memref<80x128xf32, #tpu.memory_space<vmem>>) target(%dma_start3A_174 : memref<80x128xf32, #tpu.memory_space<vmem_shared>>) target_semaphore(%run_scoped3A : memref<!tpu.dma_semaphore, #tpu.memory_space<semaphore_mem>>)
        %dma_wait3A = arith.constant 0 : i32
        %dma_wait3A_175 = tpu.memref_slice %arg15[%add3A_138, %dma_wait3A] : memref<10000x128xf32, #tpu.memory_space<vmem_shared>> -> memref<80x128xf32, #tpu.memory_space<vmem_shared>>
        %dma_wait3A_176 = arith.constant 0 : i32
        %dma_wait3A_177 = tpu.memref_slice %arg15[%add3A_138, %dma_wait3A_176] : memref<10000x128xf32, #tpu.memory_space<vmem_shared>> -> memref<80x128xf32, #tpu.memory_space<vmem_shared>>
        tpu.wait_dma2 semaphore(%run_scoped3A : memref<!tpu.dma_semaphore, #tpu.memory_space<semaphore_mem>>) src(%arg9 : memref<80x128xf32, #tpu.memory_space<vmem>>) dst(%dma_wait3A_177 : memref<80x128xf32, #tpu.memory_space<vmem_shared>>)
        tpu.yield
      }) : () -> ()
      %mul3A_139 = arith.constant 1000 : i32
      %mul3A_140 = arith.muli %arg1, %mul3A_139 : i32
      %add3A_141 = arith.constant 400 : i32
      %add3A_142 = arith.addi %mul3A_140, %add3A_141 : i32
      "tpu.region"() ({
        %run_scoped3A = tpu.sem_alloc : memref<!tpu.dma_semaphore, #tpu.memory_space<semaphore_mem>>
        %dma_start3A = arith.constant 0 : i32
        %dma_start3A_172 = tpu.memref_slice %arg15[%add3A_142, %dma_start3A] : memref<10000x128xf32, #tpu.memory_space<vmem_shared>> -> memref<80x128xf32, #tpu.memory_space<vmem_shared>>
        %dma_start3A_173 = arith.constant 0 : i32
        %dma_start3A_174 = tpu.memref_slice %arg15[%add3A_142, %dma_start3A_173] : memref<10000x128xf32, #tpu.memory_space<vmem_shared>> -> memref<80x128xf32, #tpu.memory_space<vmem_shared>>
        tpu.enqueue_dma source(%arg9 : memref<80x128xf32, #tpu.memory_space<vmem>>) target(%dma_start3A_174 : memref<80x128xf32, #tpu.memory_space<vmem_shared>>) target_semaphore(%run_scoped3A : memref<!tpu.dma_semaphore, #tpu.memory_space<semaphore_mem>>)
        %dma_wait3A = arith.constant 0 : i32
        %dma_wait3A_175 = tpu.memref_slice %arg15[%add3A_142, %dma_wait3A] : memref<10000x128xf32, #tpu.memory_space<vmem_shared>> -> memref<80x128xf32, #tpu.memory_space<vmem_shared>>
        %dma_wait3A_176 = arith.constant 0 : i32
        %dma_wait3A_177 = tpu.memref_slice %arg15[%add3A_142, %dma_wait3A_176] : memref<10000x128xf32, #tpu.memory_space<vmem_shared>> -> memref<80x128xf32, #tpu.memory_space<vmem_shared>>
        tpu.wait_dma2 semaphore(%run_scoped3A : memref<!tpu.dma_semaphore, #tpu.memory_space<semaphore_mem>>) src(%arg9 : memref<80x128xf32, #tpu.memory_space<vmem>>) dst(%dma_wait3A_177 : memref<80x128xf32, #tpu.memory_space<vmem_shared>>)
        tpu.yield
      }) : () -> ()
      %mul3A_143 = arith.constant 1000 : i32
      %mul3A_144 = arith.muli %arg1, %mul3A_143 : i32
      %add3A_145 = arith.constant 480 : i32
      %add3A_146 = arith.addi %mul3A_144, %add3A_145 : i32
      "tpu.region"() ({
        %run_scoped3A = tpu.sem_alloc : memref<!tpu.dma_semaphore, #tpu.memory_space<semaphore_mem>>
        %dma_start3A = arith.constant 0 : i32
        %dma_start3A_172 = tpu.memref_slice %arg15[%add3A_146, %dma_start3A] : memref<10000x128xf32, #tpu.memory_space<vmem_shared>> -> memref<80x128xf32, #tpu.memory_space<vmem_shared>>
        %dma_start3A_173 = arith.constant 0 : i32
        %dma_start3A_174 = tpu.memref_slice %arg15[%add3A_146, %dma_start3A_173] : memref<10000x128xf32, #tpu.memory_space<vmem_shared>> -> memref<80x128xf32, #tpu.memory_space<vmem_shared>>
        tpu.enqueue_dma source(%arg9 : memref<80x128xf32, #tpu.memory_space<vmem>>) target(%dma_start3A_174 : memref<80x128xf32, #tpu.memory_space<vmem_shared>>) target_semaphore(%run_scoped3A : memref<!tpu.dma_semaphore, #tpu.memory_space<semaphore_mem>>)
        %dma_wait3A = arith.constant 0 : i32
        %dma_wait3A_175 = tpu.memref_slice %arg15[%add3A_146, %dma_wait3A] : memref<10000x128xf32, #tpu.memory_space<vmem_shared>> -> memref<80x128xf32, #tpu.memory_space<vmem_shared>>
        %dma_wait3A_176 = arith.constant 0 : i32
        %dma_wait3A_177 = tpu.memref_slice %arg15[%add3A_146, %dma_wait3A_176] : memref<10000x128xf32, #tpu.memory_space<vmem_shared>> -> memref<80x128xf32, #tpu.memory_space<vmem_shared>>
        tpu.wait_dma2 semaphore(%run_scoped3A : memref<!tpu.dma_semaphore, #tpu.memory_space<semaphore_mem>>) src(%arg9 : memref<80x128xf32, #tpu.memory_space<vmem>>) dst(%dma_wait3A_177 : memref<80x128xf32, #tpu.memory_space<vmem_shared>>)
        tpu.yield
      }) : () -> ()
      %mul3A_147 = arith.constant 1000 : i32
      %mul3A_148 = arith.muli %arg1, %mul3A_147 : i32
      %add3A_149 = arith.constant 560 : i32
      %add3A_150 = arith.addi %mul3A_148, %add3A_149 : i32
      "tpu.region"() ({
        %run_scoped3A = tpu.sem_alloc : memref<!tpu.dma_semaphore, #tpu.memory_space<semaphore_mem>>
        %dma_start3A = arith.constant 0 : i32
        %dma_start3A_172 = tpu.memref_slice %arg15[%add3A_150, %dma_start3A] : memref<10000x128xf32, #tpu.memory_space<vmem_shared>> -> memref<80x128xf32, #tpu.memory_space<vmem_shared>>
        %dma_start3A_173 = arith.constant 0 : i32
        %dma_start3A_174 = tpu.memref_slice %arg15[%add3A_150, %dma_start3A_173] : memref<10000x128xf32, #tpu.memory_space<vmem_shared>> -> memref<80x128xf32, #tpu.memory_space<vmem_shared>>
        tpu.enqueue_dma source(%arg9 : memref<80x128xf32, #tpu.memory_space<vmem>>) target(%dma_start3A_174 : memref<80x128xf32, #tpu.memory_space<vmem_shared>>) target_semaphore(%run_scoped3A : memref<!tpu.dma_semaphore, #tpu.memory_space<semaphore_mem>>)
        %dma_wait3A = arith.constant 0 : i32
        %dma_wait3A_175 = tpu.memref_slice %arg15[%add3A_150, %dma_wait3A] : memref<10000x128xf32, #tpu.memory_space<vmem_shared>> -> memref<80x128xf32, #tpu.memory_space<vmem_shared>>
        %dma_wait3A_176 = arith.constant 0 : i32
        %dma_wait3A_177 = tpu.memref_slice %arg15[%add3A_150, %dma_wait3A_176] : memref<10000x128xf32, #tpu.memory_space<vmem_shared>> -> memref<80x128xf32, #tpu.memory_space<vmem_shared>>
        tpu.wait_dma2 semaphore(%run_scoped3A : memref<!tpu.dma_semaphore, #tpu.memory_space<semaphore_mem>>) src(%arg9 : memref<80x128xf32, #tpu.memory_space<vmem>>) dst(%dma_wait3A_177 : memref<80x128xf32, #tpu.memory_space<vmem_shared>>)
        tpu.yield
      }) : () -> ()
      %mul3A_151 = arith.constant 1000 : i32
      %mul3A_152 = arith.muli %arg1, %mul3A_151 : i32
      %add3A_153 = arith.constant 640 : i32
      %add3A_154 = arith.addi %mul3A_152, %add3A_153 : i32
      "tpu.region"() ({
        %run_scoped3A = tpu.sem_alloc : memref<!tpu.dma_semaphore, #tpu.memory_space<semaphore_mem>>
        %dma_start3A = arith.constant 0 : i32
        %dma_start3A_172 = tpu.memref_slice %arg15[%add3A_154, %dma_start3A] : memref<10000x128xf32, #tpu.memory_space<vmem_shared>> -> memref<80x128xf32, #tpu.memory_space<vmem_shared>>
        %dma_start3A_173 = arith.constant 0 : i32
        %dma_start3A_174 = tpu.memref_slice %arg15[%add3A_154, %dma_start3A_173] : memref<10000x128xf32, #tpu.memory_space<vmem_shared>> -> memref<80x128xf32, #tpu.memory_space<vmem_shared>>
        tpu.enqueue_dma source(%arg9 : memref<80x128xf32, #tpu.memory_space<vmem>>) target(%dma_start3A_174 : memref<80x128xf32, #tpu.memory_space<vmem_shared>>) target_semaphore(%run_scoped3A : memref<!tpu.dma_semaphore, #tpu.memory_space<semaphore_mem>>)
        %dma_wait3A = arith.constant 0 : i32
        %dma_wait3A_175 = tpu.memref_slice %arg15[%add3A_154, %dma_wait3A] : memref<10000x128xf32, #tpu.memory_space<vmem_shared>> -> memref<80x128xf32, #tpu.memory_space<vmem_shared>>
        %dma_wait3A_176 = arith.constant 0 : i32
        %dma_wait3A_177 = tpu.memref_slice %arg15[%add3A_154, %dma_wait3A_176] : memref<10000x128xf32, #tpu.memory_space<vmem_shared>> -> memref<80x128xf32, #tpu.memory_space<vmem_shared>>
        tpu.wait_dma2 semaphore(%run_scoped3A : memref<!tpu.dma_semaphore, #tpu.memory_space<semaphore_mem>>) src(%arg9 : memref<80x128xf32, #tpu.memory_space<vmem>>) dst(%dma_wait3A_177 : memref<80x128xf32, #tpu.memory_space<vmem_shared>>)
        tpu.yield
      }) : () -> ()
      %mul3A_155 = arith.constant 1000 : i32
      %mul3A_156 = arith.muli %arg1, %mul3A_155 : i32
      %add3A_157 = arith.constant 720 : i32
      %add3A_158 = arith.addi %mul3A_156, %add3A_157 : i32
      "tpu.region"() ({
        %run_scoped3A = tpu.sem_alloc : memref<!tpu.dma_semaphore, #tpu.memory_space<semaphore_mem>>
        %dma_start3A = arith.constant 0 : i32
        %dma_start3A_172 = tpu.memref_slice %arg15[%add3A_158, %dma_start3A] : memref<10000x128xf32, #tpu.memory_space<vmem_shared>> -> memref<80x128xf32, #tpu.memory_space<vmem_shared>>
        %dma_start3A_173 = arith.constant 0 : i32
        %dma_start3A_174 = tpu.memref_slice %arg15[%add3A_158, %dma_start3A_173] : memref<10000x128xf32, #tpu.memory_space<vmem_shared>> -> memref<80x128xf32, #tpu.memory_space<vmem_shared>>
        tpu.enqueue_dma source(%arg9 : memref<80x128xf32, #tpu.memory_space<vmem>>) target(%dma_start3A_174 : memref<80x128xf32, #tpu.memory_space<vmem_shared>>) target_semaphore(%run_scoped3A : memref<!tpu.dma_semaphore, #tpu.memory_space<semaphore_mem>>)
        %dma_wait3A = arith.constant 0 : i32
        %dma_wait3A_175 = tpu.memref_slice %arg15[%add3A_158, %dma_wait3A] : memref<10000x128xf32, #tpu.memory_space<vmem_shared>> -> memref<80x128xf32, #tpu.memory_space<vmem_shared>>
        %dma_wait3A_176 = arith.constant 0 : i32
        %dma_wait3A_177 = tpu.memref_slice %arg15[%add3A_158, %dma_wait3A_176] : memref<10000x128xf32, #tpu.memory_space<vmem_shared>> -> memref<80x128xf32, #tpu.memory_space<vmem_shared>>
        tpu.wait_dma2 semaphore(%run_scoped3A : memref<!tpu.dma_semaphore, #tpu.memory_space<semaphore_mem>>) src(%arg9 : memref<80x128xf32, #tpu.memory_space<vmem>>) dst(%dma_wait3A_177 : memref<80x128xf32, #tpu.memory_space<vmem_shared>>)
        tpu.yield
      }) : () -> ()
      %mul3A_159 = arith.constant 1000 : i32
      %mul3A_160 = arith.muli %arg1, %mul3A_159 : i32
      %add3A_161 = arith.constant 800 : i32
      %add3A_162 = arith.addi %mul3A_160, %add3A_161 : i32
      "tpu.region"() ({
        %run_scoped3A = tpu.sem_alloc : memref<!tpu.dma_semaphore, #tpu.memory_space<semaphore_mem>>
        %dma_start3A = arith.constant 0 : i32
        %dma_start3A_172 = tpu.memref_slice %arg15[%add3A_162, %dma_start3A] : memref<10000x128xf32, #tpu.memory_space<vmem_shared>> -> memref<80x128xf32, #tpu.memory_space<vmem_shared>>
        %dma_start3A_173 = arith.constant 0 : i32
        %dma_start3A_174 = tpu.memref_slice %arg15[%add3A_162, %dma_start3A_173] : memref<10000x128xf32, #tpu.memory_space<vmem_shared>> -> memref<80x128xf32, #tpu.memory_space<vmem_shared>>
        tpu.enqueue_dma source(%arg9 : memref<80x128xf32, #tpu.memory_space<vmem>>) target(%dma_start3A_174 : memref<80x128xf32, #tpu.memory_space<vmem_shared>>) target_semaphore(%run_scoped3A : memref<!tpu.dma_semaphore, #tpu.memory_space<semaphore_mem>>)
        %dma_wait3A = arith.constant 0 : i32
        %dma_wait3A_175 = tpu.memref_slice %arg15[%add3A_162, %dma_wait3A] : memref<10000x128xf32, #tpu.memory_space<vmem_shared>> -> memref<80x128xf32, #tpu.memory_space<vmem_shared>>
        %dma_wait3A_176 = arith.constant 0 : i32
        %dma_wait3A_177 = tpu.memref_slice %arg15[%add3A_162, %dma_wait3A_176] : memref<10000x128xf32, #tpu.memory_space<vmem_shared>> -> memref<80x128xf32, #tpu.memory_space<vmem_shared>>
        tpu.wait_dma2 semaphore(%run_scoped3A : memref<!tpu.dma_semaphore, #tpu.memory_space<semaphore_mem>>) src(%arg9 : memref<80x128xf32, #tpu.memory_space<vmem>>) dst(%dma_wait3A_177 : memref<80x128xf32, #tpu.memory_space<vmem_shared>>)
        tpu.yield
      }) : () -> ()
      %mul3A_163 = arith.constant 1000 : i32
      %mul3A_164 = arith.muli %arg1, %mul3A_163 : i32
      %add3A_165 = arith.constant 880 : i32
      %add3A_166 = arith.addi %mul3A_164, %add3A_165 : i32
      "tpu.region"() ({
        %run_scoped3A = tpu.sem_alloc : memref<!tpu.dma_semaphore, #tpu.memory_space<semaphore_mem>>
        %dma_start3A = arith.constant 0 : i32
        %dma_start3A_172 = tpu.memref_slice %arg15[%add3A_166, %dma_start3A] : memref<10000x128xf32, #tpu.memory_space<vmem_shared>> -> memref<80x128xf32, #tpu.memory_space<vmem_shared>>
        %dma_start3A_173 = arith.constant 0 : i32
        %dma_start3A_174 = tpu.memref_slice %arg15[%add3A_166, %dma_start3A_173] : memref<10000x128xf32, #tpu.memory_space<vmem_shared>> -> memref<80x128xf32, #tpu.memory_space<vmem_shared>>
        tpu.enqueue_dma source(%arg9 : memref<80x128xf32, #tpu.memory_space<vmem>>) target(%dma_start3A_174 : memref<80x128xf32, #tpu.memory_space<vmem_shared>>) target_semaphore(%run_scoped3A : memref<!tpu.dma_semaphore, #tpu.memory_space<semaphore_mem>>)
        %dma_wait3A = arith.constant 0 : i32
        %dma_wait3A_175 = tpu.memref_slice %arg15[%add3A_166, %dma_wait3A] : memref<10000x128xf32, #tpu.memory_space<vmem_shared>> -> memref<80x128xf32, #tpu.memory_space<vmem_shared>>
        %dma_wait3A_176 = arith.constant 0 : i32
        %dma_wait3A_177 = tpu.memref_slice %arg15[%add3A_166, %dma_wait3A_176] : memref<10000x128xf32, #tpu.memory_space<vmem_shared>> -> memref<80x128xf32, #tpu.memory_space<vmem_shared>>
        tpu.wait_dma2 semaphore(%run_scoped3A : memref<!tpu.dma_semaphore, #tpu.memory_space<semaphore_mem>>) src(%arg9 : memref<80x128xf32, #tpu.memory_space<vmem>>) dst(%dma_wait3A_177 : memref<80x128xf32, #tpu.memory_space<vmem_shared>>)
        tpu.yield
      }) : () -> ()
      %mul3A_167 = arith.constant 1000 : i32
      %mul3A_168 = arith.muli %arg1, %mul3A_167 : i32
      %add3A_169 = arith.constant 1000 : i32
      %add3A_170 = arith.addi %mul3A_168, %add3A_169 : i32
      %sub3A = arith.constant 40 : i32
      %sub3A_171 = arith.subi %add3A_170, %sub3A : i32
      "tpu.region"() ({
        %run_scoped3A = tpu.sem_alloc : memref<!tpu.dma_semaphore, #tpu.memory_space<semaphore_mem>>
        %dma_start3A = arith.constant 0 : i32
        %dma_start3A_172 = arith.constant 0 : i32
        %dma_start3A_173 = tpu.memref_slice %arg9[%dma_start3A, %dma_start3A_172] : memref<80x128xf32, #tpu.memory_space<vmem>> -> memref<40x128xf32, #tpu.memory_space<vmem>>
        %dma_start3A_174 = arith.constant 0 : i32
        %dma_start3A_175 = tpu.memref_slice %arg15[%sub3A_171, %dma_start3A_174] : memref<10000x128xf32, #tpu.memory_space<vmem_shared>> -> memref<40x128xf32, #tpu.memory_space<vmem_shared>>
        %dma_start3A_176 = arith.constant 0 : i32
        %dma_start3A_177 = tpu.memref_slice %arg15[%sub3A_171, %dma_start3A_176] : memref<10000x128xf32, #tpu.memory_space<vmem_shared>> -> memref<40x128xf32, #tpu.memory_space<vmem_shared>>
        %dma_start3A_178 = arith.constant 0 : i32
        %dma_start3A_179 = arith.constant 0 : i32
        %dma_start3A_180 = tpu.memref_slice %arg9[%dma_start3A_178, %dma_start3A_179] : memref<80x128xf32, #tpu.memory_space<vmem>> -> memref<40x128xf32, #tpu.memory_space<vmem>>
        tpu.enqueue_dma source(%dma_start3A_180 : memref<40x128xf32, #tpu.memory_space<vmem>>) target(%dma_start3A_177 : memref<40x128xf32, #tpu.memory_space<vmem_shared>>) target_semaphore(%run_scoped3A : memref<!tpu.dma_semaphore, #tpu.memory_space<semaphore_mem>>)
        %dma_wait3A = arith.constant 0 : i32
        %dma_wait3A_181 = arith.constant 0 : i32
        %dma_wait3A_182 = tpu.memref_slice %arg9[%dma_wait3A, %dma_wait3A_181] : memref<80x128xf32, #tpu.memory_space<vmem>> -> memref<40x128xf32, #tpu.memory_space<vmem>>
        %dma_wait3A_183 = arith.constant 0 : i32
        %dma_wait3A_184 = tpu.memref_slice %arg15[%sub3A_171, %dma_wait3A_183] : memref<10000x128xf32, #tpu.memory_space<vmem_shared>> -> memref<40x128xf32, #tpu.memory_space<vmem_shared>>
        %dma_wait3A_185 = arith.constant 0 : i32
        %dma_wait3A_186 = tpu.memref_slice %arg15[%sub3A_171, %dma_wait3A_185] : memref<10000x128xf32, #tpu.memory_space<vmem_shared>> -> memref<40x128xf32, #tpu.memory_space<vmem_shared>>
        %dma_wait3A_187 = arith.constant 0 : i32
        %dma_wait3A_188 = arith.constant 0 : i32
        %dma_wait3A_189 = tpu.memref_slice %arg9[%dma_wait3A_187, %dma_wait3A_188] : memref<80x128xf32, #tpu.memory_space<vmem>> -> memref<40x128xf32, #tpu.memory_space<vmem>>
        tpu.wait_dma2 semaphore(%run_scoped3A : memref<!tpu.dma_semaphore, #tpu.memory_space<semaphore_mem>>) src(%dma_wait3A_189 : memref<40x128xf32, #tpu.memory_space<vmem>>) dst(%dma_wait3A_186 : memref<40x128xf32, #tpu.memory_space<vmem_shared>>)
        tpu.yield
      }) : () -> ()
    } else {
    }
    %barrier3A = arith.constant 0 : index
    tpu.barrier barrier_id(%barrier3A)
    %broadcast_in_dim3A_96 = arith.constant 1.000000e+00 : f32
    %broadcast_in_dim3A_97 = vector.broadcast %broadcast_in_dim3A_96 : f32 to vector<16xf32>
    %scan3A_98 = arith.constant 0 : i32
    %scan3A_99 = arith.constant 0 : i32
    %scan3A_100 = arith.constant 5 : i32
    %scan3A_101 = arith.addi %scan3A_99, %scan3A_100 : i32
    %scan3A_102 = arith.constant 1 : i32
    %scan3A_103 = scf.for %scan3A_119 = %scan3A_99 to %scan3A_101 step %scan3A_102 iter_args(%scan3A_120 = %scan3A_98) -> (i32)  : i32 {
      %mul3A_121 = arith.constant 5 : i32
      %mul3A_122 = arith.muli %add3A, %mul3A_121 : i32
      %add3A_123 = arith.addi %mul3A_122, %scan3A_119 : i32
      "tpu.region"() ({
        %run_scoped3A = tpu.sem_alloc : memref<!tpu.dma_semaphore, #tpu.memory_space<semaphore_mem>>
        %dma_start3A_156 = arith.constant 0 : i32
        %dma_start3A_157 = tpu.memref_slice %arg3[%add3A_123, %dma_start3A_156] : memref<160x2000xi32, #tpu.memory_space<hbm>> -> memref<1x2000xi32, #tpu.memory_space<hbm>>
        %dma_start3A_158 = tpu.memref_squeeze %dma_start3A_157 : memref<1x2000xi32, #tpu.memory_space<hbm>> -> memref<2000xi32, #tpu.memory_space<hbm>>
        %dma_start3A_159 = arith.constant 0 : i32
        %dma_start3A_160 = tpu.memref_slice %arg3[%add3A_123, %dma_start3A_159] : memref<160x2000xi32, #tpu.memory_space<hbm>> -> memref<1x2000xi32, #tpu.memory_space<hbm>>
        %dma_start3A_161 = tpu.memref_squeeze %dma_start3A_160 : memref<1x2000xi32, #tpu.memory_space<hbm>> -> memref<2000xi32, #tpu.memory_space<hbm>>
        tpu.enqueue_dma source(%dma_start3A_161 : memref<2000xi32, #tpu.memory_space<hbm>>) target(%arg7 : memref<2000xi32, #tpu.memory_space<vmem>>) target_semaphore(%run_scoped3A : memref<!tpu.dma_semaphore, #tpu.memory_space<semaphore_mem>>)
        %dma_wait3A_162 = arith.constant 0 : i32
        %dma_wait3A_163 = tpu.memref_slice %arg3[%add3A_123, %dma_wait3A_162] : memref<160x2000xi32, #tpu.memory_space<hbm>> -> memref<1x2000xi32, #tpu.memory_space<hbm>>
        %dma_wait3A_164 = tpu.memref_squeeze %dma_wait3A_163 : memref<1x2000xi32, #tpu.memory_space<hbm>> -> memref<2000xi32, #tpu.memory_space<hbm>>
        %dma_wait3A_165 = arith.constant 0 : i32
        %dma_wait3A_166 = tpu.memref_slice %arg3[%add3A_123, %dma_wait3A_165] : memref<160x2000xi32, #tpu.memory_space<hbm>> -> memref<1x2000xi32, #tpu.memory_space<hbm>>
        %dma_wait3A_167 = tpu.memref_squeeze %dma_wait3A_166 : memref<1x2000xi32, #tpu.memory_space<hbm>> -> memref<2000xi32, #tpu.memory_space<hbm>>
        tpu.wait_dma2 semaphore(%run_scoped3A : memref<!tpu.dma_semaphore, #tpu.memory_space<semaphore_mem>>) src(%dma_wait3A_167 : memref<2000xi32, #tpu.memory_space<hbm>>) dst(%arg7 : memref<2000xi32, #tpu.memory_space<vmem>>)
        tpu.yield
      }) : () -> ()
      "tpu.region"() ({
        %run_scoped3A = tpu.sem_alloc : memref<!tpu.dma_semaphore, #tpu.memory_space<semaphore_mem>>
        %dma_start3A_156 = arith.constant 0 : i32
        %dma_start3A_157 = arith.constant 0 : i32
        %dma_start3A_158 = tpu.memref_slice %arg4[%add3A, %scan3A_119, %dma_start3A_156, %dma_start3A_157] : memref<32x5x25x80xi32, #tpu.memory_space<hbm>> -> memref<1x1x25x80xi32, #tpu.memory_space<hbm>>
        %dma_start3A_159 = tpu.memref_squeeze %dma_start3A_158 : memref<1x1x25x80xi32, #tpu.memory_space<hbm>> -> memref<25x80xi32, #tpu.memory_space<hbm>>
        %dma_start3A_160 = arith.constant 0 : i32
        %dma_start3A_161 = arith.constant 0 : i32
        %dma_start3A_162 = tpu.memref_slice %arg4[%add3A, %scan3A_119, %dma_start3A_160, %dma_start3A_161] : memref<32x5x25x80xi32, #tpu.memory_space<hbm>> -> memref<1x1x25x80xi32, #tpu.memory_space<hbm>>
        %dma_start3A_163 = tpu.memref_squeeze %dma_start3A_162 : memref<1x1x25x80xi32, #tpu.memory_space<hbm>> -> memref<25x80xi32, #tpu.memory_space<hbm>>
        tpu.enqueue_dma source(%dma_start3A_163 : memref<25x80xi32, #tpu.memory_space<hbm>>) target(%arg8 : memref<25x80xi32, #tpu.memory_space<vmem>>) target_semaphore(%run_scoped3A : memref<!tpu.dma_semaphore, #tpu.memory_space<semaphore_mem>>)
        %dma_wait3A_164 = arith.constant 0 : i32
        %dma_wait3A_165 = arith.constant 0 : i32
        %dma_wait3A_166 = tpu.memref_slice %arg4[%add3A, %scan3A_119, %dma_wait3A_164, %dma_wait3A_165] : memref<32x5x25x80xi32, #tpu.memory_space<hbm>> -> memref<1x1x25x80xi32, #tpu.memory_space<hbm>>
        %dma_wait3A_167 = tpu.memref_squeeze %dma_wait3A_166 : memref<1x1x25x80xi32, #tpu.memory_space<hbm>> -> memref<25x80xi32, #tpu.memory_space<hbm>>
        %dma_wait3A_168 = arith.constant 0 : i32
        %dma_wait3A_169 = arith.constant 0 : i32
        %dma_wait3A_170 = tpu.memref_slice %arg4[%add3A, %scan3A_119, %dma_wait3A_168, %dma_wait3A_169] : memref<32x5x25x80xi32, #tpu.memory_space<hbm>> -> memref<1x1x25x80xi32, #tpu.memory_space<hbm>>
        %dma_wait3A_171 = tpu.memref_squeeze %dma_wait3A_170 : memref<1x1x25x80xi32, #tpu.memory_space<hbm>> -> memref<25x80xi32, #tpu.memory_space<hbm>>
        tpu.wait_dma2 semaphore(%run_scoped3A : memref<!tpu.dma_semaphore, #tpu.memory_space<semaphore_mem>>) src(%dma_wait3A_171 : memref<25x80xi32, #tpu.memory_space<hbm>>) dst(%arg8 : memref<25x80xi32, #tpu.memory_space<vmem>>)
        tpu.yield
      }) : () -> ()
      %dma_start3A = arith.constant 0 : i32
      %dma_start3A_124 = tpu.memref_slice %arg7[%dma_start3A] : memref<2000xi32, #tpu.memory_space<vmem>> -> memref<80xi32, #tpu.memory_space<vmem>>
      %dma_start3A_125 = arith.constant 0 : i32
      %dma_start3A_126 = arith.constant 0 : i32
      %dma_start3A_127 = tpu.memref_slice %arg2[%dma_start3A_125, %dma_start3A_126] : memref<10000x128xf32, #tpu.memory_space<hbm>> -> memref<10000x128xf32, #tpu.memory_space<hbm>>
      tpu.enqueue_indirect_dma source(%dma_start3A_127 : memref<10000x128xf32, #tpu.memory_space<hbm>>) target(%arg9 : memref<80x128xf32, #tpu.memory_space<vmem>>) offsets(%dma_start3A_124 : memref<80xi32, #tpu.memory_space<vmem>>) semaphore(%arg17 : memref<!tpu.dma_semaphore, #tpu.memory_space<semaphore_mem>>)
      %scan3A_128 = arith.constant 0 : i32
      %scan3A_129 = arith.constant 0 : i32
      %scan3A_130 = arith.constant 25 : i32
      %scan3A_131 = arith.addi %scan3A_129, %scan3A_130 : i32
      %scan3A_132 = arith.constant 1 : i32
      %scan3A_133 = scf.for %scan3A_156 = %scan3A_129 to %scan3A_131 step %scan3A_132 iter_args(%scan3A_157 = %scan3A_128) -> (i32)  : i32 {
        %add3A_158 = arith.constant 1 : i32
        %add3A_159 = arith.addi %scan3A_156, %add3A_158 : i32
        %lt3A_160 = arith.constant 25 : i32
        %lt3A_161 = arith.cmpi slt, %add3A_159, %lt3A_160 : i32
        %convert_element_type3A_162 = arith.extui %lt3A_161 : i1 to i32
        %cond3A_163 = arith.constant 0 : i32
        %cond3A_164 = arith.cmpi ne, %convert_element_type3A_162, %cond3A_163 : i32
        scf.if %cond3A_164 {
          %add3A_199 = arith.constant 1 : i32
          %add3A_200 = arith.addi %scan3A_156, %add3A_199 : i32
          %rem3A_201 = arith.constant 3 : i32
          %rem3A_202 = arith.remsi %add3A_200, %rem3A_201 : i32
          %eq3A_203 = arith.constant 0 : i32
          %eq3A_204 = arith.cmpi eq, %rem3A_202, %eq3A_203 : i32
          %convert_element_type3A_205 = arith.extui %eq3A_204 : i1 to i32
          %cond3A_206 = arith.constant 0 : i32
          %cond3A_207 = arith.cmpi ne, %convert_element_type3A_205, %cond3A_206 : i32
          scf.if %cond3A_207 {
            %ge3A = arith.constant 2 : i32
            %ge3A_226 = arith.cmpi sge, %scan3A_156, %ge3A : i32
            %convert_element_type3A_227 = arith.extui %ge3A_226 : i1 to i32
            %cond3A_228 = arith.constant 0 : i32
            %cond3A_229 = arith.cmpi ne, %convert_element_type3A_227, %cond3A_228 : i32
            scf.if %cond3A_229 {
              %dma_wait3A_238 = arith.constant 0 : i32
              %dma_wait3A_239 = tpu.memref_slice %arg8[%scan3A_156, %dma_wait3A_238] : memref<25x80xi32, #tpu.memory_space<vmem>> -> memref<1x80xi32, #tpu.memory_space<vmem>>
              %dma_wait3A_240 = tpu.memref_squeeze %dma_wait3A_239 : memref<1x80xi32, #tpu.memory_space<vmem>> -> memref<80xi32, #tpu.memory_space<vmem>>
              %dma_wait3A_241 = arith.constant 0 : i32
              %dma_wait3A_242 = arith.constant 0 : i32
              %dma_wait3A_243 = tpu.memref_slice %arg15[%dma_wait3A_241, %dma_wait3A_242] : memref<10000x128xf32, #tpu.memory_space<vmem_shared>> -> memref<10000x128xf32, #tpu.memory_space<vmem_shared>>
              tpu.wait_indirect_dma semaphore(%arg20 : memref<!tpu.dma_semaphore, #tpu.memory_space<semaphore_mem>>) src(%arg9 : memref<80x128xf32, #tpu.memory_space<vmem>>) dst(%dma_wait3A_243 : memref<10000x128xf32, #tpu.memory_space<vmem_shared>>)
            } else {
            }
            %add3A_230 = arith.constant 1 : i32
            %add3A_231 = arith.addi %scan3A_156, %add3A_230 : i32
            %mul3A_232 = arith.constant 80 : i32
            %mul3A_233 = arith.muli %add3A_231, %mul3A_232 : i32
            %dma_start3A_234 = tpu.memref_slice %arg7[%mul3A_233] : memref<2000xi32, #tpu.memory_space<vmem>> -> memref<80xi32, #tpu.memory_space<vmem>>
            %dma_start3A_235 = arith.constant 0 : i32
            %dma_start3A_236 = arith.constant 0 : i32
            %dma_start3A_237 = tpu.memref_slice %arg2[%dma_start3A_235, %dma_start3A_236] : memref<10000x128xf32, #tpu.memory_space<hbm>> -> memref<10000x128xf32, #tpu.memory_space<hbm>>
            tpu.enqueue_indirect_dma source(%dma_start3A_237 : memref<10000x128xf32, #tpu.memory_space<hbm>>) target(%arg9 : memref<80x128xf32, #tpu.memory_space<vmem>>) offsets(%dma_start3A_234 : memref<80xi32, #tpu.memory_space<vmem>>) semaphore(%arg17 : memref<!tpu.dma_semaphore, #tpu.memory_space<semaphore_mem>>)
          } else {
          }
          %add3A_208 = arith.constant 1 : i32
          %add3A_209 = arith.addi %scan3A_156, %add3A_208 : i32
          %rem3A_210 = arith.constant 3 : i32
          %rem3A_211 = arith.remsi %add3A_209, %rem3A_210 : i32
          %eq3A_212 = arith.constant 1 : i32
          %eq3A_213 = arith.cmpi eq, %rem3A_211, %eq3A_212 : i32
          %convert_element_type3A_214 = arith.extui %eq3A_213 : i1 to i32
          %cond3A_215 = arith.constant 0 : i32
          %cond3A_216 = arith.cmpi ne, %convert_element_type3A_214, %cond3A_215 : i32
          scf.if %cond3A_216 {
            %ge3A = arith.constant 2 : i32
            %ge3A_226 = arith.cmpi sge, %scan3A_156, %ge3A : i32
            %convert_element_type3A_227 = arith.extui %ge3A_226 : i1 to i32
            %cond3A_228 = arith.constant 0 : i32
            %cond3A_229 = arith.cmpi ne, %convert_element_type3A_227, %cond3A_228 : i32
            scf.if %cond3A_229 {
              %dma_wait3A_238 = arith.constant 0 : i32
              %dma_wait3A_239 = tpu.memref_slice %arg8[%scan3A_156, %dma_wait3A_238] : memref<25x80xi32, #tpu.memory_space<vmem>> -> memref<1x80xi32, #tpu.memory_space<vmem>>
              %dma_wait3A_240 = tpu.memref_squeeze %dma_wait3A_239 : memref<1x80xi32, #tpu.memory_space<vmem>> -> memref<80xi32, #tpu.memory_space<vmem>>
              %dma_wait3A_241 = arith.constant 0 : i32
              %dma_wait3A_242 = arith.constant 0 : i32
              %dma_wait3A_243 = tpu.memref_slice %arg15[%dma_wait3A_241, %dma_wait3A_242] : memref<10000x128xf32, #tpu.memory_space<vmem_shared>> -> memref<10000x128xf32, #tpu.memory_space<vmem_shared>>
              tpu.wait_indirect_dma semaphore(%arg21 : memref<!tpu.dma_semaphore, #tpu.memory_space<semaphore_mem>>) src(%arg10 : memref<80x128xf32, #tpu.memory_space<vmem>>) dst(%dma_wait3A_243 : memref<10000x128xf32, #tpu.memory_space<vmem_shared>>)
            } else {
            }
            %add3A_230 = arith.constant 1 : i32
            %add3A_231 = arith.addi %scan3A_156, %add3A_230 : i32
            %mul3A_232 = arith.constant 80 : i32
            %mul3A_233 = arith.muli %add3A_231, %mul3A_232 : i32
            %dma_start3A_234 = tpu.memref_slice %arg7[%mul3A_233] : memref<2000xi32, #tpu.memory_space<vmem>> -> memref<80xi32, #tpu.memory_space<vmem>>
            %dma_start3A_235 = arith.constant 0 : i32
            %dma_start3A_236 = arith.constant 0 : i32
            %dma_start3A_237 = tpu.memref_slice %arg2[%dma_start3A_235, %dma_start3A_236] : memref<10000x128xf32, #tpu.memory_space<hbm>> -> memref<10000x128xf32, #tpu.memory_space<hbm>>
            tpu.enqueue_indirect_dma source(%dma_start3A_237 : memref<10000x128xf32, #tpu.memory_space<hbm>>) target(%arg10 : memref<80x128xf32, #tpu.memory_space<vmem>>) offsets(%dma_start3A_234 : memref<80xi32, #tpu.memory_space<vmem>>) semaphore(%arg18 : memref<!tpu.dma_semaphore, #tpu.memory_space<semaphore_mem>>)
          } else {
          }
          %add3A_217 = arith.constant 1 : i32
          %add3A_218 = arith.addi %scan3A_156, %add3A_217 : i32
          %rem3A_219 = arith.constant 3 : i32
          %rem3A_220 = arith.remsi %add3A_218, %rem3A_219 : i32
          %eq3A_221 = arith.constant 2 : i32
          %eq3A_222 = arith.cmpi eq, %rem3A_220, %eq3A_221 : i32
          %convert_element_type3A_223 = arith.extui %eq3A_222 : i1 to i32
          %cond3A_224 = arith.constant 0 : i32
          %cond3A_225 = arith.cmpi ne, %convert_element_type3A_223, %cond3A_224 : i32
          scf.if %cond3A_225 {
            %ge3A = arith.constant 2 : i32
            %ge3A_226 = arith.cmpi sge, %scan3A_156, %ge3A : i32
            %convert_element_type3A_227 = arith.extui %ge3A_226 : i1 to i32
            %cond3A_228 = arith.constant 0 : i32
            %cond3A_229 = arith.cmpi ne, %convert_element_type3A_227, %cond3A_228 : i32
            scf.if %cond3A_229 {
              %dma_wait3A_238 = arith.constant 0 : i32
              %dma_wait3A_239 = tpu.memref_slice %arg8[%scan3A_156, %dma_wait3A_238] : memref<25x80xi32, #tpu.memory_space<vmem>> -> memref<1x80xi32, #tpu.memory_space<vmem>>
              %dma_wait3A_240 = tpu.memref_squeeze %dma_wait3A_239 : memref<1x80xi32, #tpu.memory_space<vmem>> -> memref<80xi32, #tpu.memory_space<vmem>>
              %dma_wait3A_241 = arith.constant 0 : i32
              %dma_wait3A_242 = arith.constant 0 : i32
              %dma_wait3A_243 = tpu.memref_slice %arg15[%dma_wait3A_241, %dma_wait3A_242] : memref<10000x128xf32, #tpu.memory_space<vmem_shared>> -> memref<10000x128xf32, #tpu.memory_space<vmem_shared>>
              tpu.wait_indirect_dma semaphore(%arg22 : memref<!tpu.dma_semaphore, #tpu.memory_space<semaphore_mem>>) src(%arg11 : memref<80x128xf32, #tpu.memory_space<vmem>>) dst(%dma_wait3A_243 : memref<10000x128xf32, #tpu.memory_space<vmem_shared>>)
            } else {
            }
            %add3A_230 = arith.constant 1 : i32
            %add3A_231 = arith.addi %scan3A_156, %add3A_230 : i32
            %mul3A_232 = arith.constant 80 : i32
            %mul3A_233 = arith.muli %add3A_231, %mul3A_232 : i32
            %dma_start3A_234 = tpu.memref_slice %arg7[%mul3A_233] : memref<2000xi32, #tpu.memory_space<vmem>> -> memref<80xi32, #tpu.memory_space<vmem>>
            %dma_start3A_235 = arith.constant 0 : i32
            %dma_start3A_236 = arith.constant 0 : i32
            %dma_start3A_237 = tpu.memref_slice %arg2[%dma_start3A_235, %dma_start3A_236] : memref<10000x128xf32, #tpu.memory_space<hbm>> -> memref<10000x128xf32, #tpu.memory_space<hbm>>
            tpu.enqueue_indirect_dma source(%dma_start3A_237 : memref<10000x128xf32, #tpu.memory_space<hbm>>) target(%arg11 : memref<80x128xf32, #tpu.memory_space<vmem>>) offsets(%dma_start3A_234 : memref<80xi32, #tpu.memory_space<vmem>>) semaphore(%arg19 : memref<!tpu.dma_semaphore, #tpu.memory_space<semaphore_mem>>)
          } else {
          }
        } else {
        }
        %get3A = arith.index_cast %scan3A_156 : i32 to index
        %get3A_165 = arith.constant 0 : index
        %get3A_166 = tpu.vector_load %arg8[%get3A, %get3A_165] {strides = array<i32>} : memref<25x80xi32, #tpu.memory_space<vmem>>, vector<16xi32>,
        tpu.vector_store_idx %arg12[%get3A_166], %broadcast_in_dim3A_97 {add = true} : memref<10240xf32, #tpu.memory_space<vmem>>[vector<16xi32>], vector<16xf32>,
        %get3A_167 = arith.index_cast %scan3A_156 : i32 to index
        %get3A_168 = arith.constant 16 : index
        %get3A_169 = tpu.vector_load %arg8[%get3A_167, %get3A_168] {strides = array<i32>} : memref<25x80xi32, #tpu.memory_space<vmem>>, vector<16xi32>,
        tpu.vector_store_idx %arg12[%get3A_169], %broadcast_in_dim3A_97 {add = true} : memref<10240xf32, #tpu.memory_space<vmem>>[vector<16xi32>], vector<16xf32>,
        %get3A_170 = arith.index_cast %scan3A_156 : i32 to index
        %get3A_171 = arith.constant 32 : index
        %get3A_172 = tpu.vector_load %arg8[%get3A_170, %get3A_171] {strides = array<i32>} : memref<25x80xi32, #tpu.memory_space<vmem>>, vector<16xi32>,
        tpu.vector_store_idx %arg12[%get3A_172], %broadcast_in_dim3A_97 {add = true} : memref<10240xf32, #tpu.memory_space<vmem>>[vector<16xi32>], vector<16xf32>,
        %get3A_173 = arith.index_cast %scan3A_156 : i32 to index
        %get3A_174 = arith.constant 48 : index
        %get3A_175 = tpu.vector_load %arg8[%get3A_173, %get3A_174] {strides = array<i32>} : memref<25x80xi32, #tpu.memory_space<vmem>>, vector<16xi32>,
        tpu.vector_store_idx %arg12[%get3A_175], %broadcast_in_dim3A_97 {add = true} : memref<10240xf32, #tpu.memory_space<vmem>>[vector<16xi32>], vector<16xf32>,
        %get3A_176 = arith.index_cast %scan3A_156 : i32 to index
        %get3A_177 = arith.constant 64 : index
        %get3A_178 = tpu.vector_load %arg8[%get3A_176, %get3A_177] {strides = array<i32>} : memref<25x80xi32, #tpu.memory_space<vmem>>, vector<16xi32>,
        tpu.vector_store_idx %arg12[%get3A_178], %broadcast_in_dim3A_97 {add = true} : memref<10240xf32, #tpu.memory_space<vmem>>[vector<16xi32>], vector<16xf32>,
        %rem3A = arith.constant 3 : i32
        %rem3A_179 = arith.remsi %scan3A_156, %rem3A : i32
        %eq3A = arith.constant 0 : i32
        %eq3A_180 = arith.cmpi eq, %rem3A_179, %eq3A : i32
        %convert_element_type3A_181 = arith.extui %eq3A_180 : i1 to i32
        %cond3A_182 = arith.constant 0 : i32
        %cond3A_183 = arith.cmpi ne, %convert_element_type3A_181, %cond3A_182 : i32
        scf.if %cond3A_183 {
          %mul3A_199 = arith.constant 80 : i32
          %mul3A_200 = arith.muli %scan3A_156, %mul3A_199 : i32
          %dma_wait3A_201 = tpu.memref_slice %arg7[%mul3A_200] : memref<2000xi32, #tpu.memory_space<vmem>> -> memref<80xi32, #tpu.memory_space<vmem>>
          %dma_wait3A_202 = arith.constant 0 : i32
          %dma_wait3A_203 = arith.constant 0 : i32
          %dma_wait3A_204 = tpu.memref_slice %arg2[%dma_wait3A_202, %dma_wait3A_203] : memref<10000x128xf32, #tpu.memory_space<hbm>> -> memref<10000x128xf32, #tpu.memory_space<hbm>>
          tpu.wait_indirect_dma semaphore(%arg17 : memref<!tpu.dma_semaphore, #tpu.memory_space<semaphore_mem>>) src(%dma_wait3A_204 : memref<10000x128xf32, #tpu.memory_space<hbm>>) dst(%arg9 : memref<80x128xf32, #tpu.memory_space<vmem>>)
          %dma_start3A_205 = arith.constant 0 : i32
          %dma_start3A_206 = tpu.memref_slice %arg8[%scan3A_156, %dma_start3A_205] : memref<25x80xi32, #tpu.memory_space<vmem>> -> memref<1x80xi32, #tpu.memory_space<vmem>>
          %dma_start3A_207 = tpu.memref_squeeze %dma_start3A_206 : memref<1x80xi32, #tpu.memory_space<vmem>> -> memref<80xi32, #tpu.memory_space<vmem>>
          %dma_start3A_208 = arith.constant 0 : i32
          %dma_start3A_209 = arith.constant 0 : i32
          %dma_start3A_210 = tpu.memref_slice %arg15[%dma_start3A_208, %dma_start3A_209] : memref<10000x128xf32, #tpu.memory_space<vmem_shared>> -> memref<10000x128xf32, #tpu.memory_space<vmem_shared>>
          tpu.enqueue_indirect_dma source(%arg9 : memref<80x128xf32, #tpu.memory_space<vmem>>) target(%dma_start3A_210 : memref<10000x128xf32, #tpu.memory_space<vmem_shared>>) offsets(%dma_start3A_207 : memref<80xi32, #tpu.memory_space<vmem>>) semaphore(%arg20 : memref<!tpu.dma_semaphore, #tpu.memory_space<semaphore_mem>>) {add = true}
        } else {
        }
        %rem3A_184 = arith.constant 3 : i32
        %rem3A_185 = arith.remsi %scan3A_156, %rem3A_184 : i32
        %eq3A_186 = arith.constant 1 : i32
        %eq3A_187 = arith.cmpi eq, %rem3A_185, %eq3A_186 : i32
        %convert_element_type3A_188 = arith.extui %eq3A_187 : i1 to i32
        %cond3A_189 = arith.constant 0 : i32
        %cond3A_190 = arith.cmpi ne, %convert_element_type3A_188, %cond3A_189 : i32
        scf.if %cond3A_190 {
          %mul3A_199 = arith.constant 80 : i32
          %mul3A_200 = arith.muli %scan3A_156, %mul3A_199 : i32
          %dma_wait3A_201 = tpu.memref_slice %arg7[%mul3A_200] : memref<2000xi32, #tpu.memory_space<vmem>> -> memref<80xi32, #tpu.memory_space<vmem>>
          %dma_wait3A_202 = arith.constant 0 : i32
          %dma_wait3A_203 = arith.constant 0 : i32
          %dma_wait3A_204 = tpu.memref_slice %arg2[%dma_wait3A_202, %dma_wait3A_203] : memref<10000x128xf32, #tpu.memory_space<hbm>> -> memref<10000x128xf32, #tpu.memory_space<hbm>>
          tpu.wait_indirect_dma semaphore(%arg18 : memref<!tpu.dma_semaphore, #tpu.memory_space<semaphore_mem>>) src(%dma_wait3A_204 : memref<10000x128xf32, #tpu.memory_space<hbm>>) dst(%arg10 : memref<80x128xf32, #tpu.memory_space<vmem>>)
          %dma_start3A_205 = arith.constant 0 : i32
          %dma_start3A_206 = tpu.memref_slice %arg8[%scan3A_156, %dma_start3A_205] : memref<25x80xi32, #tpu.memory_space<vmem>> -> memref<1x80xi32, #tpu.memory_space<vmem>>
          %dma_start3A_207 = tpu.memref_squeeze %dma_start3A_206 : memref<1x80xi32, #tpu.memory_space<vmem>> -> memref<80xi32, #tpu.memory_space<vmem>>
          %dma_start3A_208 = arith.constant 0 : i32
          %dma_start3A_209 = arith.constant 0 : i32
          %dma_start3A_210 = tpu.memref_slice %arg15[%dma_start3A_208, %dma_start3A_209] : memref<10000x128xf32, #tpu.memory_space<vmem_shared>> -> memref<10000x128xf32, #tpu.memory_space<vmem_shared>>
          tpu.enqueue_indirect_dma source(%arg10 : memref<80x128xf32, #tpu.memory_space<vmem>>) target(%dma_start3A_210 : memref<10000x128xf32, #tpu.memory_space<vmem_shared>>) offsets(%dma_start3A_207 : memref<80xi32, #tpu.memory_space<vmem>>) semaphore(%arg21 : memref<!tpu.dma_semaphore, #tpu.memory_space<semaphore_mem>>) {add = true}
        } else {
        }
        %rem3A_191 = arith.constant 3 : i32
        %rem3A_192 = arith.remsi %scan3A_156, %rem3A_191 : i32
        %eq3A_193 = arith.constant 2 : i32
        %eq3A_194 = arith.cmpi eq, %rem3A_192, %eq3A_193 : i32
        %convert_element_type3A_195 = arith.extui %eq3A_194 : i1 to i32
        %cond3A_196 = arith.constant 0 : i32
        %cond3A_197 = arith.cmpi ne, %convert_element_type3A_195, %cond3A_196 : i32
        scf.if %cond3A_197 {
          %mul3A_199 = arith.constant 80 : i32
          %mul3A_200 = arith.muli %scan3A_156, %mul3A_199 : i32
          %dma_wait3A_201 = tpu.memref_slice %arg7[%mul3A_200] : memref<2000xi32, #tpu.memory_space<vmem>> -> memref<80xi32, #tpu.memory_space<vmem>>
          %dma_wait3A_202 = arith.constant 0 : i32
          %dma_wait3A_203 = arith.constant 0 : i32
          %dma_wait3A_204 = tpu.memref_slice %arg2[%dma_wait3A_202, %dma_wait3A_203] : memref<10000x128xf32, #tpu.memory_space<hbm>> -> memref<10000x128xf32, #tpu.memory_space<hbm>>
          tpu.wait_indirect_dma semaphore(%arg19 : memref<!tpu.dma_semaphore, #tpu.memory_space<semaphore_mem>>) src(%dma_wait3A_204 : memref<10000x128xf32, #tpu.memory_space<hbm>>) dst(%arg11 : memref<80x128xf32, #tpu.memory_space<vmem>>)
          %dma_start3A_205 = arith.constant 0 : i32
          %dma_start3A_206 = tpu.memref_slice %arg8[%scan3A_156, %dma_start3A_205] : memref<25x80xi32, #tpu.memory_space<vmem>> -> memref<1x80xi32, #tpu.memory_space<vmem>>
          %dma_start3A_207 = tpu.memref_squeeze %dma_start3A_206 : memref<1x80xi32, #tpu.memory_space<vmem>> -> memref<80xi32, #tpu.memory_space<vmem>>
          %dma_start3A_208 = arith.constant 0 : i32
          %dma_start3A_209 = arith.constant 0 : i32
          %dma_start3A_210 = tpu.memref_slice %arg15[%dma_start3A_208, %dma_start3A_209] : memref<10000x128xf32, #tpu.memory_space<vmem_shared>> -> memref<10000x128xf32, #tpu.memory_space<vmem_shared>>
          tpu.enqueue_indirect_dma source(%arg11 : memref<80x128xf32, #tpu.memory_space<vmem>>) target(%dma_start3A_210 : memref<10000x128xf32, #tpu.memory_space<vmem_shared>>) offsets(%dma_start3A_207 : memref<80xi32, #tpu.memory_space<vmem>>) semaphore(%arg22 : memref<!tpu.dma_semaphore, #tpu.memory_space<semaphore_mem>>) {add = true}
        } else {
        }
        %scan3A_198 = arith.constant 0 : i32
        scf.yield %scan3A_198 : i32
      }
      %scan3A_134 = arith.constant 25 : i32
      %dma_wait3A = arith.constant 0 : i32
      %dma_wait3A_135 = arith.constant 0 : i32
      %dma_wait3A_136 = tpu.memref_slice %arg8[%dma_wait3A, %dma_wait3A_135] : memref<25x80xi32, #tpu.memory_space<vmem>> -> memref<1x80xi32, #tpu.memory_space<vmem>>
      %dma_wait3A_137 = tpu.memref_squeeze %dma_wait3A_136 : memref<1x80xi32, #tpu.memory_space<vmem>> -> memref<80xi32, #tpu.memory_space<vmem>>
      %dma_wait3A_138 = arith.constant 0 : i32
      %dma_wait3A_139 = arith.constant 0 : i32
      %dma_wait3A_140 = tpu.memref_slice %arg15[%dma_wait3A_138, %dma_wait3A_139] : memref<10000x128xf32, #tpu.memory_space<vmem_shared>> -> memref<10000x128xf32, #tpu.memory_space<vmem_shared>>
      tpu.wait_indirect_dma semaphore(%arg21 : memref<!tpu.dma_semaphore, #tpu.memory_space<semaphore_mem>>) src(%arg10 : memref<80x128xf32, #tpu.memory_space<vmem>>) dst(%dma_wait3A_140 : memref<10000x128xf32, #tpu.memory_space<vmem_shared>>)
      %dma_wait3A_141 = arith.constant 0 : i32
      %dma_wait3A_142 = arith.constant 0 : i32
      %dma_wait3A_143 = tpu.memref_slice %arg8[%dma_wait3A_141, %dma_wait3A_142] : memref<25x80xi32, #tpu.memory_space<vmem>> -> memref<1x80xi32, #tpu.memory_space<vmem>>
      %dma_wait3A_144 = tpu.memref_squeeze %dma_wait3A_143 : memref<1x80xi32, #tpu.memory_space<vmem>> -> memref<80xi32, #tpu.memory_space<vmem>>
      %dma_wait3A_145 = arith.constant 0 : i32
      %dma_wait3A_146 = arith.constant 0 : i32
      %dma_wait3A_147 = tpu.memref_slice %arg15[%dma_wait3A_145, %dma_wait3A_146] : memref<10000x128xf32, #tpu.memory_space<vmem_shared>> -> memref<10000x128xf32, #tpu.memory_space<vmem_shared>>
      tpu.wait_indirect_dma semaphore(%arg22 : memref<!tpu.dma_semaphore, #tpu.memory_space<semaphore_mem>>) src(%arg11 : memref<80x128xf32, #tpu.memory_space<vmem>>) dst(%dma_wait3A_147 : memref<10000x128xf32, #tpu.memory_space<vmem_shared>>)
      %dma_wait3A_148 = arith.constant 0 : i32
      %dma_wait3A_149 = arith.constant 0 : i32
      %dma_wait3A_150 = tpu.memref_slice %arg8[%dma_wait3A_148, %dma_wait3A_149] : memref<25x80xi32, #tpu.memory_space<vmem>> -> memref<1x80xi32, #tpu.memory_space<vmem>>
      %dma_wait3A_151 = tpu.memref_squeeze %dma_wait3A_150 : memref<1x80xi32, #tpu.memory_space<vmem>> -> memref<80xi32, #tpu.memory_space<vmem>>
      %dma_wait3A_152 = arith.constant 0 : i32
      %dma_wait3A_153 = arith.constant 0 : i32
      %dma_wait3A_154 = tpu.memref_slice %arg15[%dma_wait3A_152, %dma_wait3A_153] : memref<10000x128xf32, #tpu.memory_space<vmem_shared>> -> memref<10000x128xf32, #tpu.memory_space<vmem_shared>>
      tpu.wait_indirect_dma semaphore(%arg20 : memref<!tpu.dma_semaphore, #tpu.memory_space<semaphore_mem>>) src(%arg9 : memref<80x128xf32, #tpu.memory_space<vmem>>) dst(%dma_wait3A_154 : memref<10000x128xf32, #tpu.memory_space<vmem_shared>>)
      %scan3A_155 = arith.constant 0 : i32
      scf.yield %scan3A_155 : i32
    }
    %scan3A_104 = arith.constant 5 : i32
    %scan3A_105 = arith.constant 0 : i32
    %scan3A_106 = arith.constant 0 : i32
    %scan3A_107 = arith.constant 16 : i32
    %scan3A_108 = arith.addi %scan3A_106, %scan3A_107 : i32
    %scan3A_109 = arith.constant 1 : i32
    %scan3A_110 = scf.for %scan3A_119 = %scan3A_106 to %scan3A_108 step %scan3A_109 iter_args(%scan3A_120 = %scan3A_105) -> (i32)  : i32 {
      %add3A_121 = arith.addi %arg1, %scan3A_119 : i32
      %rem3A = arith.constant 16 : i32
      %rem3A_122 = arith.remsi %add3A_121, %rem3A : i32
      %mul3A_123 = arith.constant 640 : i32
      %mul3A_124 = arith.muli %rem3A_122, %mul3A_123 : i32
      "tpu.region"() ({
        %run_scoped3A = tpu.sem_alloc : memref<!tpu.dma_semaphore, #tpu.memory_space<semaphore_mem>>
        %dma_start3A = tpu.memref_slice %arg12[%mul3A_124] : memref<10240xf32, #tpu.memory_space<vmem>> -> memref<640xf32, #tpu.memory_space<vmem>>
        %dma_start3A_411 = arith.constant 0 : i32
        %dma_start3A_412 = tpu.memref_slice %arg16[%arg1, %dma_start3A_411] : memref<16x640xf32, #tpu.memory_space<vmem_shared>> -> memref<1x640xf32, #tpu.memory_space<vmem_shared>>
        %dma_start3A_413 = tpu.memref_squeeze %dma_start3A_412 : memref<1x640xf32, #tpu.memory_space<vmem_shared>> -> memref<640xf32, #tpu.memory_space<vmem_shared>>
        %dma_start3A_414 = arith.constant 0 : i32
        %dma_start3A_415 = tpu.memref_slice %arg16[%arg1, %dma_start3A_414] : memref<16x640xf32, #tpu.memory_space<vmem_shared>> -> memref<1x640xf32, #tpu.memory_space<vmem_shared>>
        %dma_start3A_416 = tpu.memref_squeeze %dma_start3A_415 : memref<1x640xf32, #tpu.memory_space<vmem_shared>> -> memref<640xf32, #tpu.memory_space<vmem_shared>>
        %dma_start3A_417 = tpu.memref_slice %arg12[%mul3A_124] : memref<10240xf32, #tpu.memory_space<vmem>> -> memref<640xf32, #tpu.memory_space<vmem>>
        tpu.enqueue_dma source(%dma_start3A_417 : memref<640xf32, #tpu.memory_space<vmem>>) target(%dma_start3A_416 : memref<640xf32, #tpu.memory_space<vmem_shared>>) target_semaphore(%run_scoped3A : memref<!tpu.dma_semaphore, #tpu.memory_space<semaphore_mem>>)
        %dma_wait3A = tpu.memref_slice %arg12[%mul3A_124] : memref<10240xf32, #tpu.memory_space<vmem>> -> memref<640xf32, #tpu.memory_space<vmem>>
        %dma_wait3A_418 = arith.constant 0 : i32
        %dma_wait3A_419 = tpu.memref_slice %arg16[%arg1, %dma_wait3A_418] : memref<16x640xf32, #tpu.memory_space<vmem_shared>> -> memref<1x640xf32, #tpu.memory_space<vmem_shared>>
        %dma_wait3A_420 = tpu.memref_squeeze %dma_wait3A_419 : memref<1x640xf32, #tpu.memory_space<vmem_shared>> -> memref<640xf32, #tpu.memory_space<vmem_shared>>
        %dma_wait3A_421 = arith.constant 0 : i32
        %dma_wait3A_422 = tpu.memref_slice %arg16[%arg1, %dma_wait3A_421] : memref<16x640xf32, #tpu.memory_space<vmem_shared>> -> memref<1x640xf32, #tpu.memory_space<vmem_shared>>
        %dma_wait3A_423 = tpu.memref_squeeze %dma_wait3A_422 : memref<1x640xf32, #tpu.memory_space<vmem_shared>> -> memref<640xf32, #tpu.memory_space<vmem_shared>>
        %dma_wait3A_424 = tpu.memref_slice %arg12[%mul3A_124] : memref<10240xf32, #tpu.memory_space<vmem>> -> memref<640xf32, #tpu.memory_space<vmem>>
        tpu.wait_dma2 semaphore(%run_scoped3A : memref<!tpu.dma_semaphore, #tpu.memory_space<semaphore_mem>>) src(%dma_wait3A_424 : memref<640xf32, #tpu.memory_space<vmem>>) dst(%dma_wait3A_423 : memref<640xf32, #tpu.memory_space<vmem_shared>>)
        tpu.yield
      }) : () -> ()
      %barrier3A_125 = arith.constant 0 : index
      tpu.barrier barrier_id(%barrier3A_125)
      %sub3A = arith.subi %arg1, %scan3A_119 : i32
      %add3A_126 = arith.constant 16 : i32
      %add3A_127 = arith.addi %sub3A, %add3A_126 : i32
      %rem3A_128 = arith.constant 16 : i32
      %rem3A_129 = arith.remsi %add3A_127, %rem3A_128 : i32
      "tpu.region"() ({
        %run_scoped3A = tpu.sem_alloc : memref<!tpu.dma_semaphore, #tpu.memory_space<semaphore_mem>>
        %dma_start3A = arith.constant 0 : i32
        %dma_start3A_411 = tpu.memref_slice %arg16[%rem3A_129, %dma_start3A] : memref<16x640xf32, #tpu.memory_space<vmem_shared>> -> memref<1x640xf32, #tpu.memory_space<vmem_shared>>
        %dma_start3A_412 = tpu.memref_squeeze %dma_start3A_411 : memref<1x640xf32, #tpu.memory_space<vmem_shared>> -> memref<640xf32, #tpu.memory_space<vmem_shared>>
        %dma_start3A_413 = arith.constant 0 : i32
        %dma_start3A_414 = tpu.memref_slice %arg16[%rem3A_129, %dma_start3A_413] : memref<16x640xf32, #tpu.memory_space<vmem_shared>> -> memref<1x640xf32, #tpu.memory_space<vmem_shared>>
        %dma_start3A_415 = tpu.memref_squeeze %dma_start3A_414 : memref<1x640xf32, #tpu.memory_space<vmem_shared>> -> memref<640xf32, #tpu.memory_space<vmem_shared>>
        tpu.enqueue_dma source(%dma_start3A_415 : memref<640xf32, #tpu.memory_space<vmem_shared>>) target(%arg14 : memref<640xf32, #tpu.memory_space<vmem>>) target_semaphore(%run_scoped3A : memref<!tpu.dma_semaphore, #tpu.memory_space<semaphore_mem>>)
        %dma_wait3A = arith.constant 0 : i32
        %dma_wait3A_416 = tpu.memref_slice %arg16[%rem3A_129, %dma_wait3A] : memref<16x640xf32, #tpu.memory_space<vmem_shared>> -> memref<1x640xf32, #tpu.memory_space<vmem_shared>>
        %dma_wait3A_417 = tpu.memref_squeeze %dma_wait3A_416 : memref<1x640xf32, #tpu.memory_space<vmem_shared>> -> memref<640xf32, #tpu.memory_space<vmem_shared>>
        %dma_wait3A_418 = arith.constant 0 : i32
        %dma_wait3A_419 = tpu.memref_slice %arg16[%rem3A_129, %dma_wait3A_418] : memref<16x640xf32, #tpu.memory_space<vmem_shared>> -> memref<1x640xf32, #tpu.memory_space<vmem_shared>>
        %dma_wait3A_420 = tpu.memref_squeeze %dma_wait3A_419 : memref<1x640xf32, #tpu.memory_space<vmem_shared>> -> memref<640xf32, #tpu.memory_space<vmem_shared>>
        tpu.wait_dma2 semaphore(%run_scoped3A : memref<!tpu.dma_semaphore, #tpu.memory_space<semaphore_mem>>) src(%dma_wait3A_420 : memref<640xf32, #tpu.memory_space<vmem_shared>>) dst(%arg14 : memref<640xf32, #tpu.memory_space<vmem>>)
        tpu.yield
      }) : () -> ()
      %get3A = arith.constant 0 : index
      %get3A_130 = tpu.vector_load %arg13[%get3A] {strides = array<i32>} : memref<640xf32, #tpu.memory_space<vmem>>, vector<16xf32>,
      %get3A_131 = arith.constant 0 : index
      %get3A_132 = tpu.vector_load %arg14[%get3A_131] {strides = array<i32>} : memref<640xf32, #tpu.memory_space<vmem>>, vector<16xf32>,
      %add3A_133 = arith.addf %get3A_130, %get3A_132 : vector<16xf32>
      %swap3A_134 = arith.constant 0 : index
      %swap3A_135 = tpu.vector_load %arg13[%swap3A_134] {strides = array<i32>} : memref<640xf32, #tpu.memory_space<vmem>>, vector<16xf32>,
      tpu.vector_store %arg13[%swap3A_134], %add3A_133 {strides = array<i32>} : memref<640xf32, #tpu.memory_space<vmem>>, vector<16xf32>,
      %get3A_136 = arith.constant 16 : index
      %get3A_137 = tpu.vector_load %arg13[%get3A_136] {strides = array<i32>} : memref<640xf32, #tpu.memory_space<vmem>>, vector<16xf32>,
      %get3A_138 = arith.constant 16 : index
      %get3A_139 = tpu.vector_load %arg14[%get3A_138] {strides = array<i32>} : memref<640xf32, #tpu.memory_space<vmem>>, vector<16xf32>,
      %add3A_140 = arith.addf %get3A_137, %get3A_139 : vector<16xf32>
      %swap3A_141 = arith.constant 16 : index
      %swap3A_142 = tpu.vector_load %arg13[%swap3A_141] {strides = array<i32>} : memref<640xf32, #tpu.memory_space<vmem>>, vector<16xf32>,
      tpu.vector_store %arg13[%swap3A_141], %add3A_140 {strides = array<i32>} : memref<640xf32, #tpu.memory_space<vmem>>, vector<16xf32>,
      %get3A_143 = arith.constant 32 : index
      %get3A_144 = tpu.vector_load %arg13[%get3A_143] {strides = array<i32>} : memref<640xf32, #tpu.memory_space<vmem>>, vector<16xf32>,
      %get3A_145 = arith.constant 32 : index
      %get3A_146 = tpu.vector_load %arg14[%get3A_145] {strides = array<i32>} : memref<640xf32, #tpu.memory_space<vmem>>, vector<16xf32>,
      %add3A_147 = arith.addf %get3A_144, %get3A_146 : vector<16xf32>
      %swap3A_148 = arith.constant 32 : index
      %swap3A_149 = tpu.vector_load %arg13[%swap3A_148] {strides = array<i32>} : memref<640xf32, #tpu.memory_space<vmem>>, vector<16xf32>,
      tpu.vector_store %arg13[%swap3A_148], %add3A_147 {strides = array<i32>} : memref<640xf32, #tpu.memory_space<vmem>>, vector<16xf32>,
      %get3A_150 = arith.constant 48 : index
      %get3A_151 = tpu.vector_load %arg13[%get3A_150] {strides = array<i32>} : memref<640xf32, #tpu.memory_space<vmem>>, vector<16xf32>,
      %get3A_152 = arith.constant 48 : index
      %get3A_153 = tpu.vector_load %arg14[%get3A_152] {strides = array<i32>} : memref<640xf32, #tpu.memory_space<vmem>>, vector<16xf32>,
      %add3A_154 = arith.addf %get3A_151, %get3A_153 : vector<16xf32>
      %swap3A_155 = arith.constant 48 : index
      %swap3A_156 = tpu.vector_load %arg13[%swap3A_155] {strides = array<i32>} : memref<640xf32, #tpu.memory_space<vmem>>, vector<16xf32>,
      tpu.vector_store %arg13[%swap3A_155], %add3A_154 {strides = array<i32>} : memref<640xf32, #tpu.memory_space<vmem>>, vector<16xf32>,
      %get3A_157 = arith.constant 64 : index
      %get3A_158 = tpu.vector_load %arg13[%get3A_157] {strides = array<i32>} : memref<640xf32, #tpu.memory_space<vmem>>, vector<16xf32>,
      %get3A_159 = arith.constant 64 : index
      %get3A_160 = tpu.vector_load %arg14[%get3A_159] {strides = array<i32>} : memref<640xf32, #tpu.memory_space<vmem>>, vector<16xf32>,
      %add3A_161 = arith.addf %get3A_158, %get3A_160 : vector<16xf32>
      %swap3A_162 = arith.constant 64 : index
      %swap3A_163 = tpu.vector_load %arg13[%swap3A_162] {strides = array<i32>} : memref<640xf32, #tpu.memory_space<vmem>>, vector<16xf32>,
      tpu.vector_store %arg13[%swap3A_162], %add3A_161 {strides = array<i32>} : memref<640xf32, #tpu.memory_space<vmem>>, vector<16xf32>,
      %get3A_164 = arith.constant 80 : index
      %get3A_165 = tpu.vector_load %arg13[%get3A_164] {strides = array<i32>} : memref<640xf32, #tpu.memory_space<vmem>>, vector<16xf32>,
      %get3A_166 = arith.constant 80 : index
      %get3A_167 = tpu.vector_load %arg14[%get3A_166] {strides = array<i32>} : memref<640xf32, #tpu.memory_space<vmem>>, vector<16xf32>,
      %add3A_168 = arith.addf %get3A_165, %get3A_167 : vector<16xf32>
      %swap3A_169 = arith.constant 80 : index
      %swap3A_170 = tpu.vector_load %arg13[%swap3A_169] {strides = array<i32>} : memref<640xf32, #tpu.memory_space<vmem>>, vector<16xf32>,
      tpu.vector_store %arg13[%swap3A_169], %add3A_168 {strides = array<i32>} : memref<640xf32, #tpu.memory_space<vmem>>, vector<16xf32>,
      %get3A_171 = arith.constant 96 : index
      %get3A_172 = tpu.vector_load %arg13[%get3A_171] {strides = array<i32>} : memref<640xf32, #tpu.memory_space<vmem>>, vector<16xf32>,
      %get3A_173 = arith.constant 96 : index
      %get3A_174 = tpu.vector_load %arg14[%get3A_173] {strides = array<i32>} : memref<640xf32, #tpu.memory_space<vmem>>, vector<16xf32>,
      %add3A_175 = arith.addf %get3A_172, %get3A_174 : vector<16xf32>
      %swap3A_176 = arith.constant 96 : index
      %swap3A_177 = tpu.vector_load %arg13[%swap3A_176] {strides = array<i32>} : memref<640xf32, #tpu.memory_space<vmem>>, vector<16xf32>,
      tpu.vector_store %arg13[%swap3A_176], %add3A_175 {strides = array<i32>} : memref<640xf32, #tpu.memory_space<vmem>>, vector<16xf32>,
      %get3A_178 = arith.constant 112 : index
      %get3A_179 = tpu.vector_load %arg13[%get3A_178] {strides = array<i32>} : memref<640xf32, #tpu.memory_space<vmem>>, vector<16xf32>,
      %get3A_180 = arith.constant 112 : index
      %get3A_181 = tpu.vector_load %arg14[%get3A_180] {strides = array<i32>} : memref<640xf32, #tpu.memory_space<vmem>>, vector<16xf32>,
      %add3A_182 = arith.addf %get3A_179, %get3A_181 : vector<16xf32>
      %swap3A_183 = arith.constant 112 : index
      %swap3A_184 = tpu.vector_load %arg13[%swap3A_183] {strides = array<i32>} : memref<640xf32, #tpu.memory_space<vmem>>, vector<16xf32>,
      tpu.vector_store %arg13[%swap3A_183], %add3A_182 {strides = array<i32>} : memref<640xf32, #tpu.memory_space<vmem>>, vector<16xf32>,
      %get3A_185 = arith.constant 128 : index
      %get3A_186 = tpu.vector_load %arg13[%get3A_185] {strides = array<i32>} : memref<640xf32, #tpu.memory_space<vmem>>, vector<16xf32>,
      %get3A_187 = arith.constant 128 : index
      %get3A_188 = tpu.vector_load %arg14[%get3A_187] {strides = array<i32>} : memref<640xf32, #tpu.memory_space<vmem>>, vector<16xf32>,
      %add3A_189 = arith.addf %get3A_186, %get3A_188 : vector<16xf32>
      %swap3A_190 = arith.constant 128 : index
      %swap3A_191 = tpu.vector_load %arg13[%swap3A_190] {strides = array<i32>} : memref<640xf32, #tpu.memory_space<vmem>>, vector<16xf32>,
      tpu.vector_store %arg13[%swap3A_190], %add3A_189 {strides = array<i32>} : memref<640xf32, #tpu.memory_space<vmem>>, vector<16xf32>,
      %get3A_192 = arith.constant 144 : index
      %get3A_193 = tpu.vector_load %arg13[%get3A_192] {strides = array<i32>} : memref<640xf32, #tpu.memory_space<vmem>>, vector<16xf32>,
      %get3A_194 = arith.constant 144 : index
      %get3A_195 = tpu.vector_load %arg14[%get3A_194] {strides = array<i32>} : memref<640xf32, #tpu.memory_space<vmem>>, vector<16xf32>,
      %add3A_196 = arith.addf %get3A_193, %get3A_195 : vector<16xf32>
      %swap3A_197 = arith.constant 144 : index
      %swap3A_198 = tpu.vector_load %arg13[%swap3A_197] {strides = array<i32>} : memref<640xf32, #tpu.memory_space<vmem>>, vector<16xf32>,
      tpu.vector_store %arg13[%swap3A_197], %add3A_196 {strides = array<i32>} : memref<640xf32, #tpu.memory_space<vmem>>, vector<16xf32>,
      %get3A_199 = arith.constant 160 : index
      %get3A_200 = tpu.vector_load %arg13[%get3A_199] {strides = array<i32>} : memref<640xf32, #tpu.memory_space<vmem>>, vector<16xf32>,
      %get3A_201 = arith.constant 160 : index
      %get3A_202 = tpu.vector_load %arg14[%get3A_201] {strides = array<i32>} : memref<640xf32, #tpu.memory_space<vmem>>, vector<16xf32>,
      %add3A_203 = arith.addf %get3A_200, %get3A_202 : vector<16xf32>
      %swap3A_204 = arith.constant 160 : index
      %swap3A_205 = tpu.vector_load %arg13[%swap3A_204] {strides = array<i32>} : memref<640xf32, #tpu.memory_space<vmem>>, vector<16xf32>,
      tpu.vector_store %arg13[%swap3A_204], %add3A_203 {strides = array<i32>} : memref<640xf32, #tpu.memory_space<vmem>>, vector<16xf32>,
      %get3A_206 = arith.constant 176 : index
      %get3A_207 = tpu.vector_load %arg13[%get3A_206] {strides = array<i32>} : memref<640xf32, #tpu.memory_space<vmem>>, vector<16xf32>,
      %get3A_208 = arith.constant 176 : index
      %get3A_209 = tpu.vector_load %arg14[%get3A_208] {strides = array<i32>} : memref<640xf32, #tpu.memory_space<vmem>>, vector<16xf32>,
      %add3A_210 = arith.addf %get3A_207, %get3A_209 : vector<16xf32>
      %swap3A_211 = arith.constant 176 : index
      %swap3A_212 = tpu.vector_load %arg13[%swap3A_211] {strides = array<i32>} : memref<640xf32, #tpu.memory_space<vmem>>, vector<16xf32>,
      tpu.vector_store %arg13[%swap3A_211], %add3A_210 {strides = array<i32>} : memref<640xf32, #tpu.memory_space<vmem>>, vector<16xf32>,
      %get3A_213 = arith.constant 192 : index
      %get3A_214 = tpu.vector_load %arg13[%get3A_213] {strides = array<i32>} : memref<640xf32, #tpu.memory_space<vmem>>, vector<16xf32>,
      %get3A_215 = arith.constant 192 : index
      %get3A_216 = tpu.vector_load %arg14[%get3A_215] {strides = array<i32>} : memref<640xf32, #tpu.memory_space<vmem>>, vector<16xf32>,
      %add3A_217 = arith.addf %get3A_214, %get3A_216 : vector<16xf32>
      %swap3A_218 = arith.constant 192 : index
      %swap3A_219 = tpu.vector_load %arg13[%swap3A_218] {strides = array<i32>} : memref<640xf32, #tpu.memory_space<vmem>>, vector<16xf32>,
      tpu.vector_store %arg13[%swap3A_218], %add3A_217 {strides = array<i32>} : memref<640xf32, #tpu.memory_space<vmem>>, vector<16xf32>,
      %get3A_220 = arith.constant 208 : index
      %get3A_221 = tpu.vector_load %arg13[%get3A_220] {strides = array<i32>} : memref<640xf32, #tpu.memory_space<vmem>>, vector<16xf32>,
      %get3A_222 = arith.constant 208 : index
      %get3A_223 = tpu.vector_load %arg14[%get3A_222] {strides = array<i32>} : memref<640xf32, #tpu.memory_space<vmem>>, vector<16xf32>,
      %add3A_224 = arith.addf %get3A_221, %get3A_223 : vector<16xf32>
      %swap3A_225 = arith.constant 208 : index
      %swap3A_226 = tpu.vector_load %arg13[%swap3A_225] {strides = array<i32>} : memref<640xf32, #tpu.memory_space<vmem>>, vector<16xf32>,
      tpu.vector_store %arg13[%swap3A_225], %add3A_224 {strides = array<i32>} : memref<640xf32, #tpu.memory_space<vmem>>, vector<16xf32>,
      %get3A_227 = arith.constant 224 : index
      %get3A_228 = tpu.vector_load %arg13[%get3A_227] {strides = array<i32>} : memref<640xf32, #tpu.memory_space<vmem>>, vector<16xf32>,
      %get3A_229 = arith.constant 224 : index
      %get3A_230 = tpu.vector_load %arg14[%get3A_229] {strides = array<i32>} : memref<640xf32, #tpu.memory_space<vmem>>, vector<16xf32>,
      %add3A_231 = arith.addf %get3A_228, %get3A_230 : vector<16xf32>
      %swap3A_232 = arith.constant 224 : index
      %swap3A_233 = tpu.vector_load %arg13[%swap3A_232] {strides = array<i32>} : memref<640xf32, #tpu.memory_space<vmem>>, vector<16xf32>,
      tpu.vector_store %arg13[%swap3A_232], %add3A_231 {strides = array<i32>} : memref<640xf32, #tpu.memory_space<vmem>>, vector<16xf32>,
      %get3A_234 = arith.constant 240 : index
      %get3A_235 = tpu.vector_load %arg13[%get3A_234] {strides = array<i32>} : memref<640xf32, #tpu.memory_space<vmem>>, vector<16xf32>,
      %get3A_236 = arith.constant 240 : index
      %get3A_237 = tpu.vector_load %arg14[%get3A_236] {strides = array<i32>} : memref<640xf32, #tpu.memory_space<vmem>>, vector<16xf32>,
      %add3A_238 = arith.addf %get3A_235, %get3A_237 : vector<16xf32>
      %swap3A_239 = arith.constant 240 : index
      %swap3A_240 = tpu.vector_load %arg13[%swap3A_239] {strides = array<i32>} : memref<640xf32, #tpu.memory_space<vmem>>, vector<16xf32>,
      tpu.vector_store %arg13[%swap3A_239], %add3A_238 {strides = array<i32>} : memref<640xf32, #tpu.memory_space<vmem>>, vector<16xf32>,
      %get3A_241 = arith.constant 256 : index
      %get3A_242 = tpu.vector_load %arg13[%get3A_241] {strides = array<i32>} : memref<640xf32, #tpu.memory_space<vmem>>, vector<16xf32>,
      %get3A_243 = arith.constant 256 : index
      %get3A_244 = tpu.vector_load %arg14[%get3A_243] {strides = array<i32>} : memref<640xf32, #tpu.memory_space<vmem>>, vector<16xf32>,
      %add3A_245 = arith.addf %get3A_242, %get3A_244 : vector<16xf32>
      %swap3A_246 = arith.constant 256 : index
      %swap3A_247 = tpu.vector_load %arg13[%swap3A_246] {strides = array<i32>} : memref<640xf32, #tpu.memory_space<vmem>>, vector<16xf32>,
      tpu.vector_store %arg13[%swap3A_246], %add3A_245 {strides = array<i32>} : memref<640xf32, #tpu.memory_space<vmem>>, vector<16xf32>,
      %get3A_248 = arith.constant 272 : index
      %get3A_249 = tpu.vector_load %arg13[%get3A_248] {strides = array<i32>} : memref<640xf32, #tpu.memory_space<vmem>>, vector<16xf32>,
      %get3A_250 = arith.constant 272 : index
      %get3A_251 = tpu.vector_load %arg14[%get3A_250] {strides = array<i32>} : memref<640xf32, #tpu.memory_space<vmem>>, vector<16xf32>,
      %add3A_252 = arith.addf %get3A_249, %get3A_251 : vector<16xf32>
      %swap3A_253 = arith.constant 272 : index
      %swap3A_254 = tpu.vector_load %arg13[%swap3A_253] {strides = array<i32>} : memref<640xf32, #tpu.memory_space<vmem>>, vector<16xf32>,
      tpu.vector_store %arg13[%swap3A_253], %add3A_252 {strides = array<i32>} : memref<640xf32, #tpu.memory_space<vmem>>, vector<16xf32>,
      %get3A_255 = arith.constant 288 : index
      %get3A_256 = tpu.vector_load %arg13[%get3A_255] {strides = array<i32>} : memref<640xf32, #tpu.memory_space<vmem>>, vector<16xf32>,
      %get3A_257 = arith.constant 288 : index
      %get3A_258 = tpu.vector_load %arg14[%get3A_257] {strides = array<i32>} : memref<640xf32, #tpu.memory_space<vmem>>, vector<16xf32>,
      %add3A_259 = arith.addf %get3A_256, %get3A_258 : vector<16xf32>
      %swap3A_260 = arith.constant 288 : index
      %swap3A_261 = tpu.vector_load %arg13[%swap3A_260] {strides = array<i32>} : memref<640xf32, #tpu.memory_space<vmem>>, vector<16xf32>,
      tpu.vector_store %arg13[%swap3A_260], %add3A_259 {strides = array<i32>} : memref<640xf32, #tpu.memory_space<vmem>>, vector<16xf32>,
      %get3A_262 = arith.constant 304 : index
      %get3A_263 = tpu.vector_load %arg13[%get3A_262] {strides = array<i32>} : memref<640xf32, #tpu.memory_space<vmem>>, vector<16xf32>,
      %get3A_264 = arith.constant 304 : index
      %get3A_265 = tpu.vector_load %arg14[%get3A_264] {strides = array<i32>} : memref<640xf32, #tpu.memory_space<vmem>>, vector<16xf32>,
      %add3A_266 = arith.addf %get3A_263, %get3A_265 : vector<16xf32>
      %swap3A_267 = arith.constant 304 : index
      %swap3A_268 = tpu.vector_load %arg13[%swap3A_267] {strides = array<i32>} : memref<640xf32, #tpu.memory_space<vmem>>, vector<16xf32>,
      tpu.vector_store %arg13[%swap3A_267], %add3A_266 {strides = array<i32>} : memref<640xf32, #tpu.memory_space<vmem>>, vector<16xf32>,
      %get3A_269 = arith.constant 320 : index
      %get3A_270 = tpu.vector_load %arg13[%get3A_269] {strides = array<i32>} : memref<640xf32, #tpu.memory_space<vmem>>, vector<16xf32>,
      %get3A_271 = arith.constant 320 : index
      %get3A_272 = tpu.vector_load %arg14[%get3A_271] {strides = array<i32>} : memref<640xf32, #tpu.memory_space<vmem>>, vector<16xf32>,
      %add3A_273 = arith.addf %get3A_270, %get3A_272 : vector<16xf32>
      %swap3A_274 = arith.constant 320 : index
      %swap3A_275 = tpu.vector_load %arg13[%swap3A_274] {strides = array<i32>} : memref<640xf32, #tpu.memory_space<vmem>>, vector<16xf32>,
      tpu.vector_store %arg13[%swap3A_274], %add3A_273 {strides = array<i32>} : memref<640xf32, #tpu.memory_space<vmem>>, vector<16xf32>,
      %get3A_276 = arith.constant 336 : index
      %get3A_277 = tpu.vector_load %arg13[%get3A_276] {strides = array<i32>} : memref<640xf32, #tpu.memory_space<vmem>>, vector<16xf32>,
      %get3A_278 = arith.constant 336 : index
      %get3A_279 = tpu.vector_load %arg14[%get3A_278] {strides = array<i32>} : memref<640xf32, #tpu.memory_space<vmem>>, vector<16xf32>,
      %add3A_280 = arith.addf %get3A_277, %get3A_279 : vector<16xf32>
      %swap3A_281 = arith.constant 336 : index
      %swap3A_282 = tpu.vector_load %arg13[%swap3A_281] {strides = array<i32>} : memref<640xf32, #tpu.memory_space<vmem>>, vector<16xf32>,
      tpu.vector_store %arg13[%swap3A_281], %add3A_280 {strides = array<i32>} : memref<640xf32, #tpu.memory_space<vmem>>, vector<16xf32>,
      %get3A_283 = arith.constant 352 : index
      %get3A_284 = tpu.vector_load %arg13[%get3A_283] {strides = array<i32>} : memref<640xf32, #tpu.memory_space<vmem>>, vector<16xf32>,
      %get3A_285 = arith.constant 352 : index
      %get3A_286 = tpu.vector_load %arg14[%get3A_285] {strides = array<i32>} : memref<640xf32, #tpu.memory_space<vmem>>, vector<16xf32>,
      %add3A_287 = arith.addf %get3A_284, %get3A_286 : vector<16xf32>
      %swap3A_288 = arith.constant 352 : index
      %swap3A_289 = tpu.vector_load %arg13[%swap3A_288] {strides = array<i32>} : memref<640xf32, #tpu.memory_space<vmem>>, vector<16xf32>,
      tpu.vector_store %arg13[%swap3A_288], %add3A_287 {strides = array<i32>} : memref<640xf32, #tpu.memory_space<vmem>>, vector<16xf32>,
      %get3A_290 = arith.constant 368 : index
      %get3A_291 = tpu.vector_load %arg13[%get3A_290] {strides = array<i32>} : memref<640xf32, #tpu.memory_space<vmem>>, vector<16xf32>,
      %get3A_292 = arith.constant 368 : index
      %get3A_293 = tpu.vector_load %arg14[%get3A_292] {strides = array<i32>} : memref<640xf32, #tpu.memory_space<vmem>>, vector<16xf32>,
      %add3A_294 = arith.addf %get3A_291, %get3A_293 : vector<16xf32>
      %swap3A_295 = arith.constant 368 : index
      %swap3A_296 = tpu.vector_load %arg13[%swap3A_295] {strides = array<i32>} : memref<640xf32, #tpu.memory_space<vmem>>, vector<16xf32>,
      tpu.vector_store %arg13[%swap3A_295], %add3A_294 {strides = array<i32>} : memref<640xf32, #tpu.memory_space<vmem>>, vector<16xf32>,
      %get3A_297 = arith.constant 384 : index
      %get3A_298 = tpu.vector_load %arg13[%get3A_297] {strides = array<i32>} : memref<640xf32, #tpu.memory_space<vmem>>, vector<16xf32>,
      %get3A_299 = arith.constant 384 : index
      %get3A_300 = tpu.vector_load %arg14[%get3A_299] {strides = array<i32>} : memref<640xf32, #tpu.memory_space<vmem>>, vector<16xf32>,
      %add3A_301 = arith.addf %get3A_298, %get3A_300 : vector<16xf32>
      %swap3A_302 = arith.constant 384 : index
      %swap3A_303 = tpu.vector_load %arg13[%swap3A_302] {strides = array<i32>} : memref<640xf32, #tpu.memory_space<vmem>>, vector<16xf32>,
      tpu.vector_store %arg13[%swap3A_302], %add3A_301 {strides = array<i32>} : memref<640xf32, #tpu.memory_space<vmem>>, vector<16xf32>,
      %get3A_304 = arith.constant 400 : index
      %get3A_305 = tpu.vector_load %arg13[%get3A_304] {strides = array<i32>} : memref<640xf32, #tpu.memory_space<vmem>>, vector<16xf32>,
      %get3A_306 = arith.constant 400 : index
      %get3A_307 = tpu.vector_load %arg14[%get3A_306] {strides = array<i32>} : memref<640xf32, #tpu.memory_space<vmem>>, vector<16xf32>,
      %add3A_308 = arith.addf %get3A_305, %get3A_307 : vector<16xf32>
      %swap3A_309 = arith.constant 400 : index
      %swap3A_310 = tpu.vector_load %arg13[%swap3A_309] {strides = array<i32>} : memref<640xf32, #tpu.memory_space<vmem>>, vector<16xf32>,
      tpu.vector_store %arg13[%swap3A_309], %add3A_308 {strides = array<i32>} : memref<640xf32, #tpu.memory_space<vmem>>, vector<16xf32>,
      %get3A_311 = arith.constant 416 : index
      %get3A_312 = tpu.vector_load %arg13[%get3A_311] {strides = array<i32>} : memref<640xf32, #tpu.memory_space<vmem>>, vector<16xf32>,
      %get3A_313 = arith.constant 416 : index
      %get3A_314 = tpu.vector_load %arg14[%get3A_313] {strides = array<i32>} : memref<640xf32, #tpu.memory_space<vmem>>, vector<16xf32>,
      %add3A_315 = arith.addf %get3A_312, %get3A_314 : vector<16xf32>
      %swap3A_316 = arith.constant 416 : index
      %swap3A_317 = tpu.vector_load %arg13[%swap3A_316] {strides = array<i32>} : memref<640xf32, #tpu.memory_space<vmem>>, vector<16xf32>,
      tpu.vector_store %arg13[%swap3A_316], %add3A_315 {strides = array<i32>} : memref<640xf32, #tpu.memory_space<vmem>>, vector<16xf32>,
      %get3A_318 = arith.constant 432 : index
      %get3A_319 = tpu.vector_load %arg13[%get3A_318] {strides = array<i32>} : memref<640xf32, #tpu.memory_space<vmem>>, vector<16xf32>,
      %get3A_320 = arith.constant 432 : index
      %get3A_321 = tpu.vector_load %arg14[%get3A_320] {strides = array<i32>} : memref<640xf32, #tpu.memory_space<vmem>>, vector<16xf32>,
      %add3A_322 = arith.addf %get3A_319, %get3A_321 : vector<16xf32>
      %swap3A_323 = arith.constant 432 : index
      %swap3A_324 = tpu.vector_load %arg13[%swap3A_323] {strides = array<i32>} : memref<640xf32, #tpu.memory_space<vmem>>, vector<16xf32>,
      tpu.vector_store %arg13[%swap3A_323], %add3A_322 {strides = array<i32>} : memref<640xf32, #tpu.memory_space<vmem>>, vector<16xf32>,
      %get3A_325 = arith.constant 448 : index
      %get3A_326 = tpu.vector_load %arg13[%get3A_325] {strides = array<i32>} : memref<640xf32, #tpu.memory_space<vmem>>, vector<16xf32>,
      %get3A_327 = arith.constant 448 : index
      %get3A_328 = tpu.vector_load %arg14[%get3A_327] {strides = array<i32>} : memref<640xf32, #tpu.memory_space<vmem>>, vector<16xf32>,
      %add3A_329 = arith.addf %get3A_326, %get3A_328 : vector<16xf32>
      %swap3A_330 = arith.constant 448 : index
      %swap3A_331 = tpu.vector_load %arg13[%swap3A_330] {strides = array<i32>} : memref<640xf32, #tpu.memory_space<vmem>>, vector<16xf32>,
      tpu.vector_store %arg13[%swap3A_330], %add3A_329 {strides = array<i32>} : memref<640xf32, #tpu.memory_space<vmem>>, vector<16xf32>,
      %get3A_332 = arith.constant 464 : index
      %get3A_333 = tpu.vector_load %arg13[%get3A_332] {strides = array<i32>} : memref<640xf32, #tpu.memory_space<vmem>>, vector<16xf32>,
      %get3A_334 = arith.constant 464 : index
      %get3A_335 = tpu.vector_load %arg14[%get3A_334] {strides = array<i32>} : memref<640xf32, #tpu.memory_space<vmem>>, vector<16xf32>,
      %add3A_336 = arith.addf %get3A_333, %get3A_335 : vector<16xf32>
      %swap3A_337 = arith.constant 464 : index
      %swap3A_338 = tpu.vector_load %arg13[%swap3A_337] {strides = array<i32>} : memref<640xf32, #tpu.memory_space<vmem>>, vector<16xf32>,
      tpu.vector_store %arg13[%swap3A_337], %add3A_336 {strides = array<i32>} : memref<640xf32, #tpu.memory_space<vmem>>, vector<16xf32>,
      %get3A_339 = arith.constant 480 : index
      %get3A_340 = tpu.vector_load %arg13[%get3A_339] {strides = array<i32>} : memref<640xf32, #tpu.memory_space<vmem>>, vector<16xf32>,
      %get3A_341 = arith.constant 480 : index
      %get3A_342 = tpu.vector_load %arg14[%get3A_341] {strides = array<i32>} : memref<640xf32, #tpu.memory_space<vmem>>, vector<16xf32>,
      %add3A_343 = arith.addf %get3A_340, %get3A_342 : vector<16xf32>
      %swap3A_344 = arith.constant 480 : index
      %swap3A_345 = tpu.vector_load %arg13[%swap3A_344] {strides = array<i32>} : memref<640xf32, #tpu.memory_space<vmem>>, vector<16xf32>,
      tpu.vector_store %arg13[%swap3A_344], %add3A_343 {strides = array<i32>} : memref<640xf32, #tpu.memory_space<vmem>>, vector<16xf32>,
      %get3A_346 = arith.constant 496 : index
      %get3A_347 = tpu.vector_load %arg13[%get3A_346] {strides = array<i32>} : memref<640xf32, #tpu.memory_space<vmem>>, vector<16xf32>,
      %get3A_348 = arith.constant 496 : index
      %get3A_349 = tpu.vector_load %arg14[%get3A_348] {strides = array<i32>} : memref<640xf32, #tpu.memory_space<vmem>>, vector<16xf32>,
      %add3A_350 = arith.addf %get3A_347, %get3A_349 : vector<16xf32>
      %swap3A_351 = arith.constant 496 : index
      %swap3A_352 = tpu.vector_load %arg13[%swap3A_351] {strides = array<i32>} : memref<640xf32, #tpu.memory_space<vmem>>, vector<16xf32>,
      tpu.vector_store %arg13[%swap3A_351], %add3A_350 {strides = array<i32>} : memref<640xf32, #tpu.memory_space<vmem>>, vector<16xf32>,
      %get3A_353 = arith.constant 512 : index
      %get3A_354 = tpu.vector_load %arg13[%get3A_353] {strides = array<i32>} : memref<640xf32, #tpu.memory_space<vmem>>, vector<16xf32>,
      %get3A_355 = arith.constant 512 : index
      %get3A_356 = tpu.vector_load %arg14[%get3A_355] {strides = array<i32>} : memref<640xf32, #tpu.memory_space<vmem>>, vector<16xf32>,
      %add3A_357 = arith.addf %get3A_354, %get3A_356 : vector<16xf32>
      %swap3A_358 = arith.constant 512 : index
      %swap3A_359 = tpu.vector_load %arg13[%swap3A_358] {strides = array<i32>} : memref<640xf32, #tpu.memory_space<vmem>>, vector<16xf32>,
      tpu.vector_store %arg13[%swap3A_358], %add3A_357 {strides = array<i32>} : memref<640xf32, #tpu.memory_space<vmem>>, vector<16xf32>,
      %get3A_360 = arith.constant 528 : index
      %get3A_361 = tpu.vector_load %arg13[%get3A_360] {strides = array<i32>} : memref<640xf32, #tpu.memory_space<vmem>>, vector<16xf32>,
      %get3A_362 = arith.constant 528 : index
      %get3A_363 = tpu.vector_load %arg14[%get3A_362] {strides = array<i32>} : memref<640xf32, #tpu.memory_space<vmem>>, vector<16xf32>,
      %add3A_364 = arith.addf %get3A_361, %get3A_363 : vector<16xf32>
      %swap3A_365 = arith.constant 528 : index
      %swap3A_366 = tpu.vector_load %arg13[%swap3A_365] {strides = array<i32>} : memref<640xf32, #tpu.memory_space<vmem>>, vector<16xf32>,
      tpu.vector_store %arg13[%swap3A_365], %add3A_364 {strides = array<i32>} : memref<640xf32, #tpu.memory_space<vmem>>, vector<16xf32>,
      %get3A_367 = arith.constant 544 : index
      %get3A_368 = tpu.vector_load %arg13[%get3A_367] {strides = array<i32>} : memref<640xf32, #tpu.memory_space<vmem>>, vector<16xf32>,
      %get3A_369 = arith.constant 544 : index
      %get3A_370 = tpu.vector_load %arg14[%get3A_369] {strides = array<i32>} : memref<640xf32, #tpu.memory_space<vmem>>, vector<16xf32>,
      %add3A_371 = arith.addf %get3A_368, %get3A_370 : vector<16xf32>
      %swap3A_372 = arith.constant 544 : index
      %swap3A_373 = tpu.vector_load %arg13[%swap3A_372] {strides = array<i32>} : memref<640xf32, #tpu.memory_space<vmem>>, vector<16xf32>,
      tpu.vector_store %arg13[%swap3A_372], %add3A_371 {strides = array<i32>} : memref<640xf32, #tpu.memory_space<vmem>>, vector<16xf32>,
      %get3A_374 = arith.constant 560 : index
      %get3A_375 = tpu.vector_load %arg13[%get3A_374] {strides = array<i32>} : memref<640xf32, #tpu.memory_space<vmem>>, vector<16xf32>,
      %get3A_376 = arith.constant 560 : index
      %get3A_377 = tpu.vector_load %arg14[%get3A_376] {strides = array<i32>} : memref<640xf32, #tpu.memory_space<vmem>>, vector<16xf32>,
      %add3A_378 = arith.addf %get3A_375, %get3A_377 : vector<16xf32>
      %swap3A_379 = arith.constant 560 : index
      %swap3A_380 = tpu.vector_load %arg13[%swap3A_379] {strides = array<i32>} : memref<640xf32, #tpu.memory_space<vmem>>, vector<16xf32>,
      tpu.vector_store %arg13[%swap3A_379], %add3A_378 {strides = array<i32>} : memref<640xf32, #tpu.memory_space<vmem>>, vector<16xf32>,
      %get3A_381 = arith.constant 576 : index
      %get3A_382 = tpu.vector_load %arg13[%get3A_381] {strides = array<i32>} : memref<640xf32, #tpu.memory_space<vmem>>, vector<16xf32>,
      %get3A_383 = arith.constant 576 : index
      %get3A_384 = tpu.vector_load %arg14[%get3A_383] {strides = array<i32>} : memref<640xf32, #tpu.memory_space<vmem>>, vector<16xf32>,
      %add3A_385 = arith.addf %get3A_382, %get3A_384 : vector<16xf32>
      %swap3A_386 = arith.constant 576 : index
      %swap3A_387 = tpu.vector_load %arg13[%swap3A_386] {strides = array<i32>} : memref<640xf32, #tpu.memory_space<vmem>>, vector<16xf32>,
      tpu.vector_store %arg13[%swap3A_386], %add3A_385 {strides = array<i32>} : memref<640xf32, #tpu.memory_space<vmem>>, vector<16xf32>,
      %get3A_388 = arith.constant 592 : index
      %get3A_389 = tpu.vector_load %arg13[%get3A_388] {strides = array<i32>} : memref<640xf32, #tpu.memory_space<vmem>>, vector<16xf32>,
      %get3A_390 = arith.constant 592 : index
      %get3A_391 = tpu.vector_load %arg14[%get3A_390] {strides = array<i32>} : memref<640xf32, #tpu.memory_space<vmem>>, vector<16xf32>,
      %add3A_392 = arith.addf %get3A_389, %get3A_391 : vector<16xf32>
      %swap3A_393 = arith.constant 592 : index
      %swap3A_394 = tpu.vector_load %arg13[%swap3A_393] {strides = array<i32>} : memref<640xf32, #tpu.memory_space<vmem>>, vector<16xf32>,
      tpu.vector_store %arg13[%swap3A_393], %add3A_392 {strides = array<i32>} : memref<640xf32, #tpu.memory_space<vmem>>, vector<16xf32>,
      %get3A_395 = arith.constant 608 : index
      %get3A_396 = tpu.vector_load %arg13[%get3A_395] {strides = array<i32>} : memref<640xf32, #tpu.memory_space<vmem>>, vector<16xf32>,
      %get3A_397 = arith.constant 608 : index
      %get3A_398 = tpu.vector_load %arg14[%get3A_397] {strides = array<i32>} : memref<640xf32, #tpu.memory_space<vmem>>, vector<16xf32>,
      %add3A_399 = arith.addf %get3A_396, %get3A_398 : vector<16xf32>
      %swap3A_400 = arith.constant 608 : index
      %swap3A_401 = tpu.vector_load %arg13[%swap3A_400] {strides = array<i32>} : memref<640xf32, #tpu.memory_space<vmem>>, vector<16xf32>,
      tpu.vector_store %arg13[%swap3A_400], %add3A_399 {strides = array<i32>} : memref<640xf32, #tpu.memory_space<vmem>>, vector<16xf32>,
      %get3A_402 = arith.constant 624 : index
      %get3A_403 = tpu.vector_load %arg13[%get3A_402] {strides = array<i32>} : memref<640xf32, #tpu.memory_space<vmem>>, vector<16xf32>,
      %get3A_404 = arith.constant 624 : index
      %get3A_405 = tpu.vector_load %arg14[%get3A_404] {strides = array<i32>} : memref<640xf32, #tpu.memory_space<vmem>>, vector<16xf32>,
      %add3A_406 = arith.addf %get3A_403, %get3A_405 : vector<16xf32>
      %swap3A_407 = arith.constant 624 : index
      %swap3A_408 = tpu.vector_load %arg13[%swap3A_407] {strides = array<i32>} : memref<640xf32, #tpu.memory_space<vmem>>, vector<16xf32>,
      tpu.vector_store %arg13[%swap3A_407], %add3A_406 {strides = array<i32>} : memref<640xf32, #tpu.memory_space<vmem>>, vector<16xf32>,
      %barrier3A_409 = arith.constant 0 : index
      tpu.barrier barrier_id(%barrier3A_409)
      %scan3A_410 = arith.constant 0 : i32
      scf.yield %scan3A_410 : i32
    }
    %scan3A_111 = arith.constant 16 : i32
    %mul3A_112 = arith.constant 640 : i32
    %mul3A_113 = arith.muli %arg1, %mul3A_112 : i32
    "tpu.region"() ({
      %run_scoped3A = tpu.sem_alloc : memref<!tpu.dma_semaphore, #tpu.memory_space<semaphore_mem>>
      %dma_start3A = tpu.memref_slice %arg6[%arg0, %mul3A_113] : memref<2x10240xf32, #tpu.memory_space<hbm>> -> memref<1x640xf32, #tpu.memory_space<hbm>>
      %dma_start3A_119 = tpu.memref_squeeze %dma_start3A : memref<1x640xf32, #tpu.memory_space<hbm>> -> memref<640xf32, #tpu.memory_space<hbm>>
      %dma_start3A_120 = tpu.memref_slice %arg6[%arg0, %mul3A_113] : memref<2x10240xf32, #tpu.memory_space<hbm>> -> memref<1x640xf32, #tpu.memory_space<hbm>>
      %dma_start3A_121 = tpu.memref_squeeze %dma_start3A_120 : memref<1x640xf32, #tpu.memory_space<hbm>> -> memref<640xf32, #tpu.memory_space<hbm>>
      tpu.enqueue_dma source(%arg13 : memref<640xf32, #tpu.memory_space<vmem>>) target(%dma_start3A_121 : memref<640xf32, #tpu.memory_space<hbm>>) target_semaphore(%run_scoped3A : memref<!tpu.dma_semaphore, #tpu.memory_space<semaphore_mem>>)
      %dma_wait3A = tpu.memref_slice %arg6[%arg0, %mul3A_113] : memref<2x10240xf32, #tpu.memory_space<hbm>> -> memref<1x640xf32, #tpu.memory_space<hbm>>
      %dma_wait3A_122 = tpu.memref_squeeze %dma_wait3A : memref<1x640xf32, #tpu.memory_space<hbm>> -> memref<640xf32, #tpu.memory_space<hbm>>
      %dma_wait3A_123 = tpu.memref_slice %arg6[%arg0, %mul3A_113] : memref<2x10240xf32, #tpu.memory_space<hbm>> -> memref<1x640xf32, #tpu.memory_space<hbm>>
      %dma_wait3A_124 = tpu.memref_squeeze %dma_wait3A_123 : memref<1x640xf32, #tpu.memory_space<hbm>> -> memref<640xf32, #tpu.memory_space<hbm>>
      tpu.wait_dma2 semaphore(%run_scoped3A : memref<!tpu.dma_semaphore, #tpu.memory_space<semaphore_mem>>) src(%arg13 : memref<640xf32, #tpu.memory_space<vmem>>) dst(%dma_wait3A_124 : memref<640xf32, #tpu.memory_space<hbm>>)
      tpu.yield
    }) : () -> ()
    %lt3A_114 = arith.constant 10 : i32
    %lt3A_115 = arith.cmpi slt, %arg1, %lt3A_114 : i32
    %convert_element_type3A_116 = arith.extui %lt3A_115 : i1 to i32
    %cond3A_117 = arith.constant 0 : i32
    %cond3A_118 = arith.cmpi ne, %convert_element_type3A_116, %cond3A_117 : i32
    scf.if %cond3A_118 {
      %mul3A_119 = arith.constant 1000 : i32
      %mul3A_120 = arith.muli %arg1, %mul3A_119 : i32
      %mul3A_121 = arith.constant 1000 : i32
      %mul3A_122 = arith.muli %arg1, %mul3A_121 : i32
      "tpu.region"() ({
        %run_scoped3A = tpu.sem_alloc : memref<!tpu.dma_semaphore, #tpu.memory_space<semaphore_mem>>
        %dma_start3A = arith.constant 0 : i32
        %dma_start3A_123 = tpu.memref_slice %arg5[%arg0, %mul3A_122, %dma_start3A] : memref<2x10000x128xf32, #tpu.memory_space<hbm>> -> memref<1x1000x128xf32, #tpu.memory_space<hbm>>
        %dma_start3A_124 = tpu.memref_squeeze %dma_start3A_123 : memref<1x1000x128xf32, #tpu.memory_space<hbm>> -> memref<1000x128xf32, #tpu.memory_space<hbm>>
        %dma_start3A_125 = arith.constant 0 : i32
        %dma_start3A_126 = tpu.memref_slice %arg15[%mul3A_120, %dma_start3A_125] : memref<10000x128xf32, #tpu.memory_space<vmem_shared>> -> memref<1000x128xf32, #tpu.memory_space<vmem_shared>>
        tpu.enqueue_dma source(%dma_start3A_126 : memref<1000x128xf32, #tpu.memory_space<vmem_shared>>) target(%dma_start3A_124 : memref<1000x128xf32, #tpu.memory_space<hbm>>) target_semaphore(%run_scoped3A : memref<!tpu.dma_semaphore, #tpu.memory_space<semaphore_mem>>)
        %dma_wait3A = arith.constant 0 : i32
        %dma_wait3A_127 = tpu.memref_slice %arg5[%arg0, %mul3A_122, %dma_wait3A] : memref<2x10000x128xf32, #tpu.memory_space<hbm>> -> memref<1x1000x128xf32, #tpu.memory_space<hbm>>
        %dma_wait3A_128 = tpu.memref_squeeze %dma_wait3A_127 : memref<1x1000x128xf32, #tpu.memory_space<hbm>> -> memref<1000x128xf32, #tpu.memory_space<hbm>>
        %dma_wait3A_129 = arith.constant 0 : i32
        %dma_wait3A_130 = tpu.memref_slice %arg15[%mul3A_120, %dma_wait3A_129] : memref<10000x128xf32, #tpu.memory_space<vmem_shared>> -> memref<1000x128xf32, #tpu.memory_space<vmem_shared>>
        tpu.wait_dma2 semaphore(%run_scoped3A : memref<!tpu.dma_semaphore, #tpu.memory_space<semaphore_mem>>) src(%dma_wait3A_130 : memref<1000x128xf32, #tpu.memory_space<vmem_shared>>) dst(%dma_wait3A_128 : memref<1000x128xf32, #tpu.memory_space<hbm>>)
        tpu.yield
      }) : () -> ()
    } else {
    }
    return
  }
}

module attributes {stable_mosaic.version = 14 : i64} {
  func.func @_tc_body(%arg0: i32, %arg1: memref<2x1024x128xf32, #tpu.memory_space<vmem>>, %arg2: memref<2x1024xf32, #tpu.memory_space<vmem>>, %arg3: memref<1024x128xf32, #tpu.memory_space<vmem>>, %arg4: memref<128x128xf32, #tpu.memory_space<vmem>>, %arg5: memref<1x128xf32, #tpu.memory_space<vmem>>, %arg6: memref<1024x128xf32, #tpu.memory_space<vmem>>) attributes {dimension_semantics = [#tpu.dimension_semantics<arbitrary>], iteration_bounds = array<i64: 10>, scalar_prefetch = 0 : i64, scratch_operands = 0 : i64, tpu.core_type = #tpu.core_type<tc>, window_params = [{transform_indices = @transform_0, window_bounds = array<i64: 2, 1024, 128>}, {transform_indices = @transform_1, window_bounds = array<i64: 2, 1024>}, {transform_indices = @transform_2, window_bounds = array<i64: 1024, 128>}, {pipeline_mode = #tpu.pipeline_mode<synchronous>, transform_indices = @transform_3, window_bounds = array<i64: 128, 128>}, {pipeline_mode = #tpu.pipeline_mode<synchronous>, transform_indices = @transform_4, window_bounds = array<i64: 1, 128>}, {transform_indices = @transform_5, window_bounds = array<i64: 1024, 128>}]} {
    %get3A = arith.constant 0 : index
    %get3A_0 = arith.constant 0 : index
    %get3A_1 = arith.constant 0 : index
    %get3A_2 = vector.load %arg1[%get3A, %get3A_0, %get3A_1] : memref<2x1024x128xf32, #tpu.memory_space<vmem>>, vector<1x1024x128xf32>
    %get3A_3 = vector.shape_cast %get3A_2 : vector<1x1024x128xf32> to vector<1024x128xf32>
    %get3A_4 = arith.constant 1 : index
    %get3A_5 = arith.constant 0 : index
    %get3A_6 = arith.constant 0 : index
    %get3A_7 = vector.load %arg1[%get3A_4, %get3A_5, %get3A_6] : memref<2x1024x128xf32, #tpu.memory_space<vmem>>, vector<1x1024x128xf32>
    %get3A_8 = vector.shape_cast %get3A_7 : vector<1x1024x128xf32> to vector<1024x128xf32>
    %add3A = arith.addf %get3A_3, %get3A_8 : vector<1024x128xf32>
    %get3A_9 = arith.constant 0 : index
    %get3A_10 = arith.constant 0 : index
    %get3A_11 = vector.load %arg2[%get3A_9, %get3A_10] : memref<2x1024xf32, #tpu.memory_space<vmem>>, vector<1x1024xf32>
    %get3A_12 = vector.shape_cast %get3A_11 : vector<1x1024xf32> to vector<1024xf32>
    %get3A_13 = arith.constant 1 : index
    %get3A_14 = arith.constant 0 : index
    %get3A_15 = vector.load %arg2[%get3A_13, %get3A_14] : memref<2x1024xf32, #tpu.memory_space<vmem>>, vector<1x1024xf32>
    %get3A_16 = vector.shape_cast %get3A_15 : vector<1x1024xf32> to vector<1024xf32>
    %add3A_17 = arith.addf %get3A_12, %get3A_16 : vector<1024xf32>
    %reshape3A = vector.shape_cast %add3A_17 : vector<1024xf32> to vector<1x1024xf32>
    %transpose3A = tpu.transpose %reshape3A, [1, 0] : vector<1x1024xf32> -> vector<1024x1xf32>
    %max3A = arith.constant 1.000000e+00 : f32
    %max3A_18 = vector.broadcast %max3A : f32 to vector<1024x1xf32>
    %max3A_19 = arith.maximumf %transpose3A, %max3A_18 : vector<1024x1xf32>
    %div3A = vector.broadcast %max3A_19 : vector<1024x1xf32> to vector<1024x128xf32>
    %div3A_20 = arith.divf %add3A, %div3A : vector<1024x128xf32>
    %get3A_21 = arith.constant 0 : index
    %get3A_22 = arith.constant 0 : index
    %get3A_23 = vector.load %arg4[%get3A_21, %get3A_22] : memref<128x128xf32, #tpu.memory_space<vmem>>, vector<128x128xf32>
    %dot_general3A = arith.constant dense<0.000000e+00> : vector<1024x128xf32>
    %dot_general3A_24 = tpu.matmul %div3A_20, %get3A_23, %dot_general3A {dimension_numbers = #tpu.dot_dimension_numbers<[1], [0], [0], [1], [0, 0, 1, 1], [], []>, transpose_lhs_hint = false} : vector<1024x128xf32>, vector<128x128xf32>, vector<1024x128xf32> -> vector<1024x128xf32>
    %get3A_25 = arith.constant 0 : index
    %get3A_26 = arith.constant 0 : index
    %get3A_27 = vector.load %arg5[%get3A_25, %get3A_26] : memref<1x128xf32, #tpu.memory_space<vmem>>, vector<1x128xf32>
    %add3A_28 = vector.broadcast %get3A_27 : vector<1x128xf32> to vector<1024x128xf32>
    %add3A_29 = arith.addf %dot_general3A_24, %add3A_28 : vector<1024x128xf32>
    %max3A_30 = arith.constant 0.000000e+00 : f32
    %max3A_31 = vector.broadcast %max3A_30 : f32 to vector<1024x128xf32>
    %max3A_32 = arith.maximumf %add3A_29, %max3A_31 : vector<1024x128xf32>
    %get3A_33 = arith.constant 0 : index
    %get3A_34 = arith.constant 0 : index
    %get3A_35 = vector.load %arg3[%get3A_33, %get3A_34] : memref<1024x128xf32, #tpu.memory_space<vmem>>, vector<1024x128xf32>
    %add3A_36 = arith.addf %max3A_32, %get3A_35 : vector<1024x128xf32>
    %swap3A = arith.constant 0 : index
    %swap3A_37 = arith.constant 0 : index
    %swap3A_38 = vector.load %arg6[%swap3A, %swap3A_37] : memref<1024x128xf32, #tpu.memory_space<vmem>>, vector<1024x128xf32>
    tpu.vector_store %arg6[%swap3A, %swap3A_37], %add3A_36 {strides = array<i32>} : memref<1024x128xf32, #tpu.memory_space<vmem>>, vector<1024x128xf32>,
    return
  }
  func.func @transform_0(%arg0: i32) -> (i32, i32, i32) {
    %c0_i32 = arith.constant 0 : i32
    %c0_i32_0 = arith.constant 0 : i32
    %c0_i32_1 = arith.constant 0 : i32
    return %c0_i32, %arg0, %c0_i32_0 : i32, i32, i32
  }
  func.func @transform_1(%arg0: i32) -> (i32, i32) {
    %c0_i32 = arith.constant 0 : i32
    %c0_i32_0 = arith.constant 0 : i32
    return %c0_i32, %arg0 : i32, i32
  }
  func.func @transform_2(%arg0: i32) -> (i32, i32) {
    %c0_i32 = arith.constant 0 : i32
    %c0_i32_0 = arith.constant 0 : i32
    return %arg0, %c0_i32 : i32, i32
  }
  func.func @transform_3(%arg0: i32) -> (i32, i32) {
    %c0_i32 = arith.constant 0 : i32
    %c0_i32_0 = arith.constant 0 : i32
    %c0_i32_1 = arith.constant 0 : i32
    return %c0_i32, %c0_i32_0 : i32, i32
  }
  func.func @transform_4(%arg0: i32) -> (i32, i32) {
    %c0_i32 = arith.constant 0 : i32
    %c0_i32_0 = arith.constant 0 : i32
    %c0_i32_1 = arith.constant 0 : i32
    return %c0_i32, %c0_i32_0 : i32, i32
  }
  func.func @transform_5(%arg0: i32) -> (i32, i32) {
    %c0_i32 = arith.constant 0 : i32
    %c0_i32_0 = arith.constant 0 : i32
    return %arg0, %c0_i32 : i32, i32
  }
}

</mosaic_0001>

<sc_bundles>
// kernel: kernel.4.cloned.1.call-start
scs
__scs_entry_jumppad:
0x0: {  	(pc) =	sbr.rel $0x88, $3  }
0x1: {  	(tag) =	ssettag $0x0;
	lr =	simm.s32 $0x1  }
0x2: {  	[smem:$0x3F9D] =	sst lr;
	_ =	strace $0xD0000000  }
0x3: {  	_ = 	snop  }
0x4: {  	_ = 	snop  }
0x5: {  	_ = 	snop  }
0x6: {  	_ = 	snop  }
0x7: {  	_ = 	snop  }
__scs_overlays_trampoline_lowered:
0x8: {  	[smem:$0x3FAC] =	sst s0  }
0x9: {  	[smem:$0x3FAD] =	sst s1  }
0xa: {  	[smem:$0x3FAE] =	sst s2  }
0xb: {  	[smem:$0x3FAF] =	sst s3  }
0xc: {  	[smem:$0x3FB0] =	sst s4  }
0xd: {  	[smem:$0x3FB1] =	sst s5  }
0xe: {  	[smem:$0x3FB2] =	sst s6  }
0xf: {  	[smem:$0x3FB3] =	sst s7  }
0x10: {  	[smem:$0x3FB4] =	sst s8  }
0x11: {  	[smem:$0x3FB5] =	sst s9;
	s0 =	simm.s32 @!p0 $0x0  }
0x12: {  	s1 =	sld [smem:$0x3F9B];
	s0 =	simm.s32 @p0 $0x1  }
0x13: {  	[smem:$0x3FB6] =	sst s0;
	s0 =	simm.s32 @!p1 $0x0  }
0x14: {  	s2 =	sld [smem:$0x3F9A];
	s0 =	simm.s32 @p1 $0x1  }
0x15: {  	[smem:$0x3FB7] =	sst s0;
	s0 =	simm.s32 @!p2 $0x0  }
0x16: {  	s3 =	sld [smem:$0x3FDB];
	s0 =	simm.s32 @p2 $0x1  }
0x17: {  	s4 =	simm.s32 $0x1BF5;
	[smem:$0x3FB9] =	sst s0  }
0x18: {  	s0 =	sld [smem:$0x3F9C];
	_ =	swait.ge [sflag:s4], $0x0  }
0x19: {  	s7 =	sld [smem:$0x3F9D]  }
0x1a: {  	s8 =	sadd.s32 $0xFFFFE003, lr  }
0x1b: {  	s9 =	sadd.s32 $0xFFFFFEF7, lr;
	s5 =	simm.s32 $0xFFFFFFFF;
	p2 =	slt.u32 s8, $0xFFFFF086  }
0x1c: {  	p1 =	slt.u32 s9, $0xF7A;
	s5 =	simm.s32 @!p2 $0x0  }
0x1d: {  	s5 =	simm.s32 @p1 $0x1;
	p0 =	seq.s32 s7, s2  }
0x1e: {  	s7 =	smul.u32 @!p0 $0xF7A, s2;
	p2 =	seq.s32 @!p0 s5, $0x0  }
0x1f: {  	s9 =	smul.u32 $0xF7A, s1;
	s8 =	simm.s32 @!p0 $0x1BF5;
	p2 =	por !p2, p0  }
0x20: {  	[sflag:s8] =	ssyncset.s32 @!p0 $0xFFFFF086;
	s6 =	sadd.s32 @!p0 s3, s7;
	s7 =	simm.s32 @!p0 $0x108  }
0x21: {  	s3 =	sadd.s32 s3, s9;
	s6 =	sadd.s32 @!p0 $0x88, s6;
	s7 =	simm.s32 @p2 $0x1082  }
0x22: {  	[simem:s7], [sflag:s8] =	dma.local @!p0 [hbm:s6], $0xF7A  }
0x23: {  	s9 =	sor.u32 $0xD0000000, s2;
	s6 =	simm.s32 $0x108;
	_ =	swait.ge @!p0 [sflag:s8], $0x0  }
0x24: {  	s3 =	sadd.s32 $0x88, s3;
	s6 =	simm.s32 @!p1 $0x1082;
	[sflag:s4] =	ssyncset.s32 $0xFFFFF086  }
0x25: {  	[simem:s6], [sflag:s4] =	dma.local [hbm:s3], $0xF7A  }
0x26: {  	[smem:$0x3F9D] =	sst s1;
	(tag) =	ssettag s2;
	_ =	strace s9  }
0x27: {  	s1 =	sld [smem:$0x3FAD]  }
0x28: {  	s2 =	sld [smem:$0x3FAE]  }
0x29: {  	s4 =	sld [smem:$0x3FB0]  }
0x2a: {  	p0 =	seq.s32 s5, $0x0;
	s5 =	sld [smem:$0x3FB1]  }
0x2b: {  	s6 =	sld [smem:$0x3FB2]  }
0x2c: {  	s7 =	sld [smem:$0x3FB3]  }
0x2d: {  	s3 =	simm.s32 $0x108;
	s8 =	sld [smem:$0x3FB4]  }
0x2e: {  	s3 =	simm.s32 @!p0 $0x1082;
	s9 =	sld [smem:$0x3FB5]  }
0x2f: {  	lr =	sadd.s32 s0, s3;
	s0 =	sld [smem:$0x3FAC]  }
0x30: {  	s3 =	sld [smem:$0x3FAF]  }
0x31: {  	[smem:$0x3FB8] =	sst s10  }
0x32: {  	s10 =	sld [smem:$0x3FB6];
	_ =	sdelay $0x3  }
0x33: {  	p0 =	seq.s32 s10, $0x1;
	s10 =	sld [smem:$0x3FB8];
	_ =	sdelay $0x3  }
0x34: {  	[smem:$0x3FB8] =	sst s10  }
0x35: {  	s10 =	sld [smem:$0x3FB7];
	_ =	sdelay $0x3  }
0x36: {  	p1 =	seq.s32 s10, $0x1;
	s10 =	sld [smem:$0x3FB8];
	_ =	sdelay $0x3  }
0x37: {  	[smem:$0x3FB8] =	sst s10  }
0x38: {  	s10 =	sld [smem:$0x3FB9]  }
0x39: {  	_ = 	snop;
	(pc) =	sbr.ind lr, $3  }
0x3a: {  	_ = 	snop  }
0x3b: {  	_ = 	snop  }
0x3c: {  	p2 =	seq.s32 s10, $0x1;
	s10 =	sld [smem:$0x3FB8]  }
0x3d: {  	_ =	shalt  }
0x3e: {  	_ =	shalt  }
0x3f: {  	_ =	shalt  }
0x40: {  	_ =	shalt  }
0x41: {  	_ =	shalt  }
0x42: {  	_ =	shalt  }
0x43: {  	_ =	shalt  }
0x44: {  	_ =	shalt  }
0x45: {  	_ =	shalt  }
0x46: {  	_ =	shalt  }
0x47: {  	_ =	shalt  }
0x48: {  	_ =	shalt  }
0x49: {  	_ =	shalt  }
0x4a: {  	_ =	shalt  }
0x4b: {  	_ =	shalt  }
0x4c: {  	_ =	shalt  }
0x4d: {  	_ =	shalt  }
0x4e: {  	_ =	shalt  }
0x4f: {  	_ =	shalt  }
0x50: {  	_ =	shalt  }
0x51: {  	_ =	shalt  }
0x52: {  	_ =	shalt  }
0x53: {  	_ =	shalt  }
0x54: {  	_ =	shalt  }
0x55: {  	_ =	shalt  }
0x56: {  	_ =	shalt  }
0x57: {  	_ =	shalt  }
0x58: {  	_ =	shalt  }
0x59: {  	_ =	shalt  }
0x5a: {  	_ =	shalt  }
0x5b: {  	_ =	shalt  }
0x5c: {  	_ =	shalt  }
0x5d: {  	_ =	shalt  }
0x5e: {  	_ =	shalt  }
0x5f: {  	_ =	shalt  }
0x60: {  	_ =	shalt  }
0x61: {  	_ =	shalt  }
0x62: {  	_ =	shalt  }
0x63: {  	_ =	shalt  }
0x64: {  	_ =	shalt  }
0x65: {  	_ =	shalt  }
0x66: {  	_ =	shalt  }
0x67: {  	_ =	shalt  }
0x68: {  	_ =	shalt  }
0x69: {  	_ =	shalt  }
0x6a: {  	_ =	shalt  }
0x6b: {  	_ =	shalt  }
0x6c: {  	_ =	shalt  }
0x6d: {  	_ =	shalt  }
0x6e: {  	_ =	shalt  }
0x6f: {  	_ =	shalt  }
0x70: {  	_ =	shalt  }
0x71: {  	_ =	shalt  }
0x72: {  	_ =	shalt  }
0x73: {  	_ =	shalt  }
0x74: {  	_ =	shalt  }
0x75: {  	_ =	shalt  }
0x76: {  	_ =	shalt  }
0x77: {  	_ =	shalt  }
0x78: {  	_ =	shalt  }
0x79: {  	_ =	shalt  }
0x7a: {  	_ =	shalt  }
0x7b: {  	_ =	shalt  }
0x7c: {  	_ =	shalt  }
0x7d: {  	_ =	shalt  }
0x7e: {  	_ =	shalt  }
0x7f: {  	_ =	shalt  }
0x80: {  	_ =	shalt  }
0x81: {  	_ =	shalt  }
0x82: {  	_ =	shalt  }
0x83: {  	_ =	shalt  }
0x84: {  	_ =	shalt  }
0x85: {  	_ =	shalt  }
0x86: {  	_ =	shalt  }
0x87: {  	_ =	shalt  }
.Lfunc_end0:
.L_simem_size_0:
called_computation_lowered:
.L_overlay_start_0:
0x88: {  	s2 =	sld [smem:$0x3FD9]  }
0x89: {  	s3 =	sld [smem:$0x3FFE];
	_ =	sdelay $0x1  }
0x8a: {  	s1 =	srdreg.scid  }
0x8b: {  	s0 =	sand.u32 $0x1, s1  }
0x8c: {  	s17 =	sshll.u32 s0, $0xA;
	s2 =	sadd.s32 s3, s2  }
0x8d: {  	s2 =	sadd.s32 s2, s17  }
0x8e: {  	[smem:$0x3FC4] =	sst s2  }
0x8f: {  	_ = 	snop  }
0x90: {  	s2 =	sld [smem:$0x3FC9]  }
0x91: {  	s18 =	sld [smem:$0x3FD0];
	(tm) =	ssettm $0x1  }
0x92: {  	s4 =	sld [smem:$0x3FFB];
	_ =	sdelay $0x3  }
0x93: {  	_ =	strace s4  }
0x94: {  	s4 =	sld [smem:$0x3FFC];
	_ =	sdelay $0x3  }
0x95: {  	_ =	strace s4  }
0x96: {  	s4 =	sld [smem:$0x3FFD];
	_ =	sdelay $0x3  }
0x97: {  	_ =	strace s4  }
0x98: {  	_ =	strace $0x8FFFFFFF  }
0x99: {  	s19 =	sld [smem:$0x3FDB];
	_ =	sdelay $0x1  }
0x9a: {  	s5 =	simm.s32 $_scs_section_size  }
0x9b: {  	s6 =	simm.s32 $_size__tile_overlayer_lowered;
	s7 =	simm.s32 $_tile_overlayer_lowered  }
0x9c: {  	s22 =	simm.s32 $0x1BFF;
	s21 =	sshll.u32 s7, $0x1;
	s4 =	sadd.s32 s5, s19  }
0x9d: {  	s8 =	simm.s32 $0x0;
	s20 =	sshll.u32 s6, $0x1;
	s6 =	sadd.s32 s21, s4  }
0x9e: {  	[timem:s8], [sflag:s22] =	dma.local [hbm:s6], s20  }
0x9f: {  	_ =	swait.ge [sflag:s22], s20  }
0xa0: {  	s5 =	ssub.s32 $0x0, s20;
	[sflag:s22] =	ssyncset.done $0x0  }
0xa1: {  	[sflag:s22] =	ssyncadd.s32 s5;
	_ =	sdelay $0x1  }
0xa2: {  	s23 =	simm.s32 $0x1B8B  }
0xa3: {  	_ =	swait.ge [sflag:s23], $0x1  }
0xa4: {  	[sflag:s23] =	ssyncset.done $0x0  }
0xa5: {  	s25 =	simm.s32 $0x1B8E;
	s24 =	sld [smem:$0x3FFE];
	[sflag:s23] =	ssyncadd.s32 $0xFFFFFFFF  }
0xa6: {  	s26 =	simm.s32 $execute0_lowered;
	[smem:$0x3FD2] =	sst s25  }
0xa7: {  	s6 =	sshll.u32 s26, $0x1;
	_ =	strace $0x80000046;
	[dreg:$0x1] =	wrdreg $0xFFFFFFFF  }
0xa8: {  	s28 =	simm.s32 $_size_execute0_lowered;
	s4 =	sadd.s32 s4, s6;
	[dreg:$0x0] =	wrdreg $0x0  }
0xa9: {  	s6 =	sshll.u32 s28, $0x1;
	[dreg:$0x2] =	wrdreg s4  }
0xaa: {  	[dreg:$0x3] =	wrdreg s6  }
0xab: {  	[dreg:$0x4] =	wrdreg $0xC0  }
0xac: {  	_ =	task [dreg:s8], $0x5FFFF  }
0xad: {  	[dreg:$0x1] =	wrdreg $0xFFFFFFFF  }
0xae: {  	[dreg:$0x0] =	wrdreg $0x60  }
0xaf: {  	[dreg:$0x2] =	wrdreg s2  }
0xb0: {  	[dreg:$0x3] =	wrdreg s24  }
0xb1: {  	[dreg:$0x4] =	wrdreg s18  }
0xb2: {  	[dreg:$0x5] =	wrdreg $0xBD000  }
0xb3: {  	[dreg:$0x6] =	wrdreg $0x1F5800  }
0xb4: {  	[dreg:$0x7] =	wrdreg $0x9  }
0xb5: {  	_ =	task.clear_ibuf [dreg:s8], $0x8FFFF;
	_ =	strace $0x90000046  }
0xb6: {  	s29 =	simm.s32 $0x9;
	_ =	strace $0x80000048  }
0xb7: {  	_ =	swait.ge [sflag:s29], $0x1  }
0xb8: {  	[sflag:s29] =	ssyncadd.s32 $0xFFFFFFFF  }
0xb9: {  	_ =	strace $0x90000048  }
0xba: {  	_ =	sfence  }
0xbb: {  	s30 =	sld [smem:$0x0];
	_ =	sdelay $0x2  }
0xbc: {  	s31 =	sshll.u32 s1, $0xD;
	s1 =	sshrl.u32 s1, $0x2  }
0xbd: {  	s3 =	sand.u32 $0x4000, s31;
	s1 =	sadd.s32 s1, s30  }
0xbe: {  	s0 =	sor.u32 s3, s0;
	s1 =	sshll.u32 s1, $0x11  }
0xbf: {  	s0 =	sor.u32 s1, s0  }
0xc0: {  	s0 =	sadd.s32 $0x8F2B, s0  }
0xc1: {  	[sflag:s0] =	ssyncadd.remote.s32 $0x1  }
0xc2: {  	_ =	sfence.sel $0xFFFF  }
0xc3: {  	[dreg:$0x0] =	wrdreg $0xFFFFFFFF;
	(pc) =	sbr.abs _section_cstart, $3  }
0xc4: {  	[dreg:$0x1] =	wrdreg $0xFFFFFFFF  }
0xc5: {  	_ =	task.clear_ibuf [dreg:s8], $0x2FFFF;
	_ =	strace $0x9FFFFFFF  }
0xc6: {  	(tm) =	ssettm $0x7FFFFFFF  }
0xc7: {  	_ =	shalt  }
tec
execute0_lowered:
.L_overlay_start_1:
0x0: {  	(tag) =	ssettag $0x1  }
0x1: {  	s0 =	rddreg [dreg:$0x0]  }
0x2: {  	s2 =	rddreg [dreg:$0x1]  }
0x3: {  	s1 =	rddreg [dreg:$0x2]  }
0x4: {  	s4 =	rddreg [dreg:$0x3];
	s3 =	srdreg.scid  }
0x5: {  	s5 =	rddreg [dreg:$0x4];
	s21 =	simm.s32 $0x0;
	s6 =	sand.u32 $0x1, s3  }
0x6: {  	s28 =	simm.s32 $0x80;
	s3 =	stileid.u32;
	s8 =	smul.u32 $0x138800, s6  }
0x7: {  	s29 =	simm.s32 $0x400;
	[smem:$0x7FF] =	sst s21;
	s9 =	smul.u32 $0x1F400, s3  }
0x8: {  	s7 =	sadd.s32 $0x1000, s2;
	s10 =	smul.u32 $0x500, s3;
	s11 =	sshll.u32 s6, $0x7  }
0x9: {  	s22 =	smul.u32 $0x7D000, s3;
	s23 =	ssub.s32 $0x2, s6;
	s8 =	sadd.s32 s9, s8  }
0xa: {  	s24 =	sshrl.u32 s23, $0x1;
	s20 =	sor.u32 s11, s10;
	s8 =	sshrl.u32 s8, $0x3  }
0xb: {  	s10 =	sshrl.u32 s22, $0x2;
	s9 =	sshrl.u32 s20, $0x3;
	s8 =	sadd.s32 s8, s2  }
0xc: {  	s2 =	sadd.s32 s9, s2;
	s9 =	ssub.s32 s23, s24;
	s23 =	sadd.s32 s10, s4  }
0xd: {  	_ =	strace $0x80000047;
	s10 =	sadd.s32 $0x2800, s23;
	[dreg:$0x7] =	wrdreg s23  }
0xe: {  	s12 =	sshll.u32 s3, $0x1;
	s25 =	sadd.s32 $0x5000, s23;
	[dreg:$0x8] =	wrdreg s10  }
0xf: {  	s6 =	sor.u32 s6, s12;
	s12 =	sadd.s32 $0x7800, s23;
	[dreg:$0x9] =	wrdreg s25  }
0x10: {  	s30 =	simm.s32 $0x7;
	s13 =	sadd.s32 $0xA000, s23;
	[dreg:$0xa] =	wrdreg s12  }
0x11: {  	s31 =	simm.s32 $0x1800;
	s14 =	sadd.s32 $0xC800, s23;
	[dreg:$0xb] =	wrdreg s13  }
0x12: {  	s26 =	sshrl.u32 s3, $0x3;
	s15 =	sadd.s32 $0xF000, s23;
	[dreg:$0xc] =	wrdreg s14  }
0x13: {  	s18 =	sshll.u32 s3, $0x7;
	s16 =	sadd.s32 $0x11800, s23;
	[dreg:$0xd] =	wrdreg s15  }
0x14: {  	p0 =	sgt.u32 s3, $0x9;
	s17 =	sadd.s32 $0x14000, s23;
	[dreg:$0xe] =	wrdreg s16  }
0x15: {  	s11 =	sand.u32 $0x380, s18;
	s19 =	sadd.s32 $0x16800, s23;
	[dreg:$0xf] =	wrdreg s17  }
0x16: {  	s18 =	simm.s32 $0x1;
	s20 =	sadd.s32 $0x19000, s23;
	[dreg:$0x10] =	wrdreg s19  }
0x17: {  	s22 =	sadd.s32 $0x1B800, s23;
	s10 =	smul.u32 $0x5000, s26;
	[dreg:$0x11] =	wrdreg s20  }
0x18: {  	s2 =	sadd.s32 $0x59200, s2;
	s19 =	smul.u32 $0x5, s6;
	[dreg:$0x12] =	wrdreg s22  }
0x19: {  	s24 =	sadd.s32 $0xB000, s8;
	s22 =	smul.u32 $0x5000, s6;
	[dreg:$0x13] =	wrdreg s2  }
0x1a: {  	[dreg:$0x14] =	wrdreg s24;
	s25 =	smax.u32 s9, $0x1;
	s26 =	sadd.s32 $0x1E000, s23  }
0x1b: {  	s2 =	simm.s32 $0x9000;
	s9 =	simm.s32 $0x3;
	s12 =	simm.s32 $0x5  }
0x1c: {  	s13 =	simm.s32 $0x6;
	s14 =	simm.s32 $0x4;
	s15 =	simm.s32 $0xBA80  }
0x1d: {  	s16 =	simm.s32 $0x2;
	[dreg:$0x15] =	wrdreg s25;
	s10 =	sshrl.u32 s10, $0x2  }
0x1e: {  	s17 =	simm.s32 $0x4000;
	[dreg:$0x16] =	wrdreg s26;
	s10 =	sadd.s32 s10, s5  }
0x1f: {  	v0 =	vimm.f32 $0.0e+00;
	v1 =	vimm.f32 $1.000000000e+00;
	s20 =	sadd.s32 s11, s10;
	s10 =	simm.s32 $0x50;
	s11 =	simm.s32 $0x6800  }
.LBB2_1:
0x20: {  	[dreg:$0x6] =	wrdreg s21;
	s21 =	simm.s32 $0x100;
	s8 =	simm.s32 $0x0  }
.LBB2_2:
0x21: {  	p1 =	sne.s32 s21, $0x9F00;
	[tilespmem:s8+$0x9030] =	vst v0;
	s6 =	smov.u32 s21;
	s21 =	sadd.s32 $0x100, s21  }
.Ltmp0:
0x22: {  	[tilespmem:s8+$0x9020] =	vst v0;
	(pc) =	sbr.rel @p1 .LBB2_2-.Ltmp0, $3  }
0x23: {  	[tilespmem:s8+$0x9000] =	vst v0  }
0x24: {  	[tilespmem:s8+$0x9010] =	vst v0;
	_ =	sdelay $0x1  }
0x25: {  	s8 =	sshra.s32 s6, $0x2  }
0x26: {  	[tilespmem:s8+$0x9030] =	vst v0  }
0x27: {  	[tilespmem:s8+$0x9020] =	vst v0  }
0x28: {  	[tilespmem:s8+$0x9000] =	vst v0  }
0x29: {  	[tilespmem:s8+$0x9010] =	vst v0  }
0x2a: {  	[tilespmem:$0xB800] =	vst v0  }
0x2b: {  	[tilespmem:$0xB810] =	vst v0  }
0x2c: {  	[tilespmem:$0xB820] =	vst v0  }
0x2d: {  	[tilespmem:$0xB830] =	vst v0  }
0x2e: {  	[tilespmem:$0xB840] =	vst v0  }
0x2f: {  	[tilespmem:$0xB850] =	vst v0  }
0x30: {  	[tilespmem:$0xB860] =	vst v0  }
0x31: {  	[tilespmem:$0xB870] =	vst v0  }
0x32: {  	[tilespmem:$0xB880] =	vst v0  }
0x33: {  	[tilespmem:$0xB890] =	vst v0  }
0x34: {  	[tilespmem:$0xB8A0] =	vst v0  }
0x35: {  	[tilespmem:$0xB8B0] =	vst v0  }
0x36: {  	[tilespmem:$0xB8C0] =	vst v0  }
0x37: {  	[tilespmem:$0xB8D0] =	vst v0  }
0x38: {  	[tilespmem:$0xB8E0] =	vst v0  }
0x39: {  	[tilespmem:$0xB8F0] =	vst v0  }
0x3a: {  	[tilespmem:$0xB900] =	vst v0  }
0x3b: {  	[tilespmem:$0xB910] =	vst v0  }
0x3c: {  	[tilespmem:$0xB920] =	vst v0  }
0x3d: {  	[tilespmem:$0xB930] =	vst v0  }
0x3e: {  	[tilespmem:$0xB940] =	vst v0  }
0x3f: {  	[tilespmem:$0xB950] =	vst v0  }
0x40: {  	[tilespmem:$0xB960] =	vst v0  }
0x41: {  	[tilespmem:$0xB970] =	vst v0  }
0x42: {  	[tilespmem:$0xB980] =	vst v0  }
0x43: {  	[tilespmem:$0xB990] =	vst v0  }
0x44: {  	[tilespmem:$0xB9A0] =	vst v0  }
0x45: {  	[tilespmem:$0xB9B0] =	vst v0  }
0x46: {  	[tilespmem:$0xB9C0] =	vst v0  }
0x47: {  	[tilespmem:$0xB9D0] =	vst v0  }
0x48: {  	[tilespmem:$0xB9E0] =	vst v0  }
0x49: {  	[tilespmem:$0xB9F0] =	vst v0  }
0x4a: {  	[tilespmem:$0xBA00] =	vst v0  }
0x4b: {  	[tilespmem:$0xBA10] =	vst v0  }
0x4c: {  	[tilespmem:$0xBA20] =	vst v0  }
0x4d: {  	[tilespmem:$0xBA30] =	vst v0  }
0x4e: {  	[tilespmem:$0xBA40] =	vst v0  }
0x4f: {  	[tilespmem:$0xBA50] =	vst v0  }
0x50: {  	[tilespmem:$0xBA60] =	vst v0  }
0x51: {  	s8 =	simm.s32 $0x0;
	s21 =	simm.s32 $0x200;
	[tilespmem:$0xBA70] =	vst v0  }
.LBB2_4:
0x52: {  	p1 =	sne.s32 s21, $0x9E00;
	[tilespmem:s8+$0x1870] =	vst v0  }
0x53: {  	[tilespmem:s8+$0x1800] =	vst v0  }
0x54: {  	[tilespmem:s8+$0x1810] =	vst v0  }
.Ltmp1:
0x55: {  	[tilespmem:s8+$0x1820] =	vst v0;
	(pc) =	sbr.rel @p1 .LBB2_4-.Ltmp1, $4  }
0x56: {  	[tilespmem:s8+$0x1830] =	vst v0  }
0x57: {  	[tilespmem:s8+$0x1840] =	vst v0  }
0x58: {  	[tilespmem:s8+$0x1850] =	vst v0  }
0x59: {  	[tilespmem:s8+$0x1860] =	vst v0;
	s8 =	sshra.s32 s21, $0x2;
	s21 =	sadd.s32 $0x200, s21  }
0x5a: {  	[tilespmem:s8+$0x1870] =	vst v0  }
0x5b: {  	[tilespmem:s8+$0x1800] =	vst v0  }
0x5c: {  	[tilespmem:s8+$0x1810] =	vst v0  }
0x5d: {  	[tilespmem:s8+$0x1820] =	vst v0  }
0x5e: {  	[tilespmem:s8+$0x1830] =	vst v0  }
0x5f: {  	[tilespmem:s8+$0x1840] =	vst v0  }
0x60: {  	[tilespmem:s8+$0x1850] =	vst v0  }
0x61: {  	[tilespmem:s8+$0x1860] =	vst v0;
	s6 =	simm.s32 @!p0 $0x1800;
	s8 =	simm.s32 @!p0 $0x7  }
0x62: {  	[spmem:s23] =	stream.linear.scatter @!p0 [tilespmem:s6], [sflag:$0x7], $0x2800, $0x38;
	[tilespmem:$0x1F800] =	vst v63  }
0x63: {  	_ =	swait.ge @!p0 [sflag:s8], $0x2800  }
0x64: {  	[sflag:s8] =	ssyncset.done @!p0 $0x0  }
0x65: {  	s21 =	rddreg [dreg:$0x8];
	[sflag:s8] =	ssyncadd.s32 @!p0 $0xFFFFD800  }
0x66: {  	[spmem:s21] =	stream.linear.scatter @!p0 [tilespmem:s6], [sflag:$0x7], $0x2800, $0x38;
	[tilespmem:$0x1F800] =	vst v63  }
0x67: {  	_ =	swait.ge @!p0 [sflag:s8], $0x2800  }
0x68: {  	[sflag:s8] =	ssyncset.done @!p0 $0x0  }
0x69: {  	s21 =	rddreg [dreg:$0x9];
	[sflag:s8] =	ssyncadd.s32 @!p0 $0xFFFFD800  }
0x6a: {  	[spmem:s21] =	stream.linear.scatter @!p0 [tilespmem:s6], [sflag:$0x7], $0x2800, $0x38;
	[tilespmem:$0x1F800] =	vst v63  }
0x6b: {  	_ =	swait.ge @!p0 [sflag:s8], $0x2800  }
0x6c: {  	[sflag:s8] =	ssyncset.done @!p0 $0x0  }
0x6d: {  	s21 =	rddreg [dreg:$0xa];
	[sflag:s8] =	ssyncadd.s32 @!p0 $0xFFFFD800  }
0x6e: {  	[spmem:s21] =	stream.linear.scatter @!p0 [tilespmem:s6], [sflag:$0x7], $0x2800, $0x38;
	[tilespmem:$0x1F800] =	vst v63  }
0x6f: {  	_ =	swait.ge @!p0 [sflag:s8], $0x2800  }
0x70: {  	[sflag:s8] =	ssyncset.done @!p0 $0x0  }
0x71: {  	s21 =	rddreg [dreg:$0xb];
	[sflag:s8] =	ssyncadd.s32 @!p0 $0xFFFFD800  }
0x72: {  	[spmem:s21] =	stream.linear.scatter @!p0 [tilespmem:s6], [sflag:$0x7], $0x2800, $0x38;
	[tilespmem:$0x1F800] =	vst v63  }
0x73: {  	_ =	swait.ge @!p0 [sflag:s8], $0x2800  }
0x74: {  	[sflag:s8] =	ssyncset.done @!p0 $0x0  }
0x75: {  	s21 =	rddreg [dreg:$0xc];
	[sflag:s8] =	ssyncadd.s32 @!p0 $0xFFFFD800  }
0x76: {  	[spmem:s21] =	stream.linear.scatter @!p0 [tilespmem:s6], [sflag:$0x7], $0x2800, $0x38;
	[tilespmem:$0x1F800] =	vst v63  }
0x77: {  	_ =	swait.ge @!p0 [sflag:s8], $0x2800  }
0x78: {  	[sflag:s8] =	ssyncset.done @!p0 $0x0  }
0x79: {  	s21 =	rddreg [dreg:$0xd];
	[sflag:s8] =	ssyncadd.s32 @!p0 $0xFFFFD800  }
0x7a: {  	[spmem:s21] =	stream.linear.scatter @!p0 [tilespmem:s6], [sflag:$0x7], $0x2800, $0x38;
	[tilespmem:$0x1F800] =	vst v63  }
0x7b: {  	_ =	swait.ge @!p0 [sflag:s8], $0x2800  }
0x7c: {  	[sflag:s8] =	ssyncset.done @!p0 $0x0  }
0x7d: {  	s21 =	rddreg [dreg:$0xe];
	[sflag:s8] =	ssyncadd.s32 @!p0 $0xFFFFD800  }
0x7e: {  	[spmem:s21] =	stream.linear.scatter @!p0 [tilespmem:s6], [sflag:$0x7], $0x2800, $0x38;
	[tilespmem:$0x1F800] =	vst v63  }
0x7f: {  	_ =	swait.ge @!p0 [sflag:s8], $0x2800  }
0x80: {  	[sflag:s8] =	ssyncset.done @!p0 $0x0  }
0x81: {  	s21 =	rddreg [dreg:$0xf];
	[sflag:s8] =	ssyncadd.s32 @!p0 $0xFFFFD800  }
0x82: {  	[spmem:s21] =	stream.linear.scatter @!p0 [tilespmem:s6], [sflag:$0x7], $0x2800, $0x38;
	[tilespmem:$0x1F800] =	vst v63  }
0x83: {  	_ =	swait.ge @!p0 [sflag:s8], $0x2800  }
0x84: {  	[sflag:s8] =	ssyncset.done @!p0 $0x0  }
0x85: {  	s21 =	rddreg [dreg:$0x10];
	[sflag:s8] =	ssyncadd.s32 @!p0 $0xFFFFD800  }
0x86: {  	[spmem:s21] =	stream.linear.scatter @!p0 [tilespmem:s6], [sflag:$0x7], $0x2800, $0x38;
	[tilespmem:$0x1F800] =	vst v63  }
0x87: {  	_ =	swait.ge @!p0 [sflag:s8], $0x2800  }
0x88: {  	[sflag:s8] =	ssyncset.done @!p0 $0x0  }
0x89: {  	s21 =	rddreg [dreg:$0x11];
	[sflag:s8] =	ssyncadd.s32 @!p0 $0xFFFFD800  }
0x8a: {  	[spmem:s21] =	stream.linear.scatter @!p0 [tilespmem:s6], [sflag:$0x7], $0x2800, $0x38;
	[tilespmem:$0x1F800] =	vst v63  }
0x8b: {  	_ =	swait.ge @!p0 [sflag:s8], $0x2800  }
0x8c: {  	[sflag:s8] =	ssyncset.done @!p0 $0x0  }
0x8d: {  	s21 =	rddreg [dreg:$0x12];
	[sflag:s8] =	ssyncadd.s32 @!p0 $0xFFFFD800  }
0x8e: {  	[spmem:s21] =	stream.linear.scatter @!p0 [tilespmem:s6], [sflag:$0x7], $0x2800, $0x38;
	[tilespmem:$0x1F800] =	vst v63  }
0x8f: {  	_ =	swait.ge @!p0 [sflag:s8], $0x2800  }
0x90: {  	[sflag:s8] =	ssyncset.done @!p0 $0x0  }
0x91: {  	s21 =	rddreg [dreg:$0x16];
	[sflag:s8] =	ssyncadd.s32 @!p0 $0xFFFFD800  }
0x92: {  	[spmem:s21] =	stream.linear.scatter @!p0 [tilespmem:s6], [sflag:$0x7], $0x1400, $0x38;
	[tilespmem:$0x1F800] =	vst v63  }
.Ltmp2:
0x93: {  	_ =	swait.ge @!p0 [sflag:s8], $0x1400;
	(pc) =	sbr.rel .LBB2_6-.Ltmp2, $4  }
0x94: {  	[sflag:s8] =	ssyncset.done @!p0 $0x0  }
0x95: {  	[sflag:s8] =	ssyncadd.s32 @!p0 $0xFFFFEC00  }
0x96: {  	[bflag:$0x0] =	sbarrier.arrive $0xFFFF  }
0x97: {  	s23 =	simm.s32 $0x0;
	s21 =	simm.s32 $0x0  }
.LBB2_17:
0x98: {  	_ =	swait.ge [sflag:s12], $0x2800  }
0x99: {  	[sflag:s12] =	ssyncset.done $0x0  }
0x9a: {  	s23 =	sadd.s32 $0x1, s23;
	[sflag:s12] =	ssyncadd.s32 $0xFFFFD800  }
0x9b: {  	p1 =	sne.s32 s23, $0x5;
	_ =	swait.ge [sflag:s13], $0x2800  }
.Ltmp3:
0x9c: {  	[sflag:s13] =	ssyncset.done $0x0;
	(pc) =	sbr.rel @!p1 .LBB2_18-.Ltmp3, $4  }
0x9d: {  	[sflag:s13] =	ssyncadd.s32 $0xFFFFD800  }
0x9e: {  	_ =	swait.ge [sflag:s14], $0x2800  }
0x9f: {  	[sflag:s14] =	ssyncset.done $0x0  }
0xa0: {  	[sflag:s14] =	ssyncadd.s32 $0xFFFFD800  }
.LBB2_6:
0xa1: {  	s6 =	sadd.s32 s19, s23  }
0xa2: {  	s8 =	sshll.u32 s6, $0x4  }
0xa3: {  	s6 =	sshll.u32 s6, $0x8;
	s8 =	sand.u32 $0x70, s8  }
0xa4: {  	s6 =	sand.u32 $0xFFFF800, s6;
	s8 =	sadd.s32 s7, s8  }
0xa5: {  	s26 =	sshll.u32 s23, $0xC;
	s6 =	sadd.s32 s6, s8  }
0xa6: {  	[tilespmem:s21], [sflag:$0x7] =	stream.strided.gather [hbm4b:s6+s28], $0x800, s29, s28, $0x38;
	[tilespmem:$0x1F800] =	vst v63  }
0xa7: {  	s6 =	sadd.s32 s22, s26;
	_ =	swait.ge [sflag:s30], $0x800  }
0xa8: {  	s6 =	sshrl.u32 s6, $0x3;
	[sflag:s30] =	ssyncset.done $0x0  }
0xa9: {  	s24 =	simm.s32 $0x800;
	s6 =	sadd.s32 s1, s6;
	[sflag:s30] =	ssyncadd.s32 $0xFFFFF800  }
0xaa: {  	[tilespmem:s24], [sflag:$0x7] =	stream.linear.gather [hbm4b:s6+s21], $0xC80, $0x38;
	[tilespmem:$0x1F800] =	vst v63  }
.Ltmp4:
0xab: {  	_ = 	snop;
	(pc) =	sbr.rel .LBB2_7-.Ltmp4, $4  }
0xac: {  	_ =	swait.ge [sflag:s30], $0xC80  }
0xad: {  	[sflag:s30] =	ssyncset.done $0x0  }
0xae: {  	s25 =	simm.s32 $0x50;
	s8 =	simm.s32 $0x0;
	[sflag:s30] =	ssyncadd.s32 $0xFFFFF380  }
0xaf: {  	[tilespmem:s31], [sflag:$0x1] =	stream.indirect.gather [hbm4b:s0+s25], $0x80, s21, s25, $0xb8;
	[tilespmem:$0x1F800] =	vst v63  }
.LBB2_15:
0xb0: {  	_ =	swait.ge [sflag:s9], $0x2800  }
0xb1: {  	[sflag:s9] =	ssyncset.done $0x0  }
0xb2: {  	[sflag:s9] =	ssyncadd.s32 $0xFFFFD800  }
0xb3: {  	[spmem:s4] =	stream.indirect.scatter.add.f32 [tilespmem:s11], [sflag:$0x6], $0x80, s24, s10, $0xb8;
	[tilespmem:$0x1F800] =	vst v63  }
.LBB2_16:
0xb4: {  	p1 =	sne.s32 s8, $0x19  }
.Ltmp5:
0xb5: {  	_ = 	snop;
	(pc) =	sbr.rel @!p1 .LBB2_17-.Ltmp5, $2  }
0xb6: {  	_ =	sdelay $0x2  }
0xb7: {  	s25 =	sadd.s32 $0x50, s25;
	s24 =	sadd.s32 $0x80, s24  }
.LBB2_7:
0xb8: {  	p1 =	seq.s32 s8, $0x18  }
.Ltmp6:
0xb9: {  	_ = 	snop;
	(pc) =	sbr.rel @p1 .LBB2_13-.Ltmp6, $2  }
0xba: {  	_ =	sdelay $0x2  }
0xbb: {  	s26 =	smov.u32 s8;
	s8 =	sadd.s32 $0x1, s8  }
0xbc: {  	s6 =	smul.u32 $0xAB, s8;
	_ =	sdelay $0x1  }
0xbd: {  	s6 =	sshrl.u32 s6, $0x9  }
0xbe: {  	s6 =	sand.u32 $0x7F, s6  }
0xbf: {  	s6 =	smul.u32 $0x3, s6;
	_ =	sdelay $0x1  }
0xc0: {  	s6 =	ssub.s32 s8, s6  }
0xc1: {  	s6 =	sand.u32 $0xFF, s6  }
0xc2: {  	p1 =	seq.s32 s6, $0x2  }
.Ltmp7:
0xc3: {  	_ = 	snop;
	(pc) =	sbr.rel @p1 .LBB2_12-.Ltmp7, $1  }
0xc4: {  	_ =	sdelay $0x3  }
0xc5: {  	p1 =	seq.s32 s6, $0x1  }
.Ltmp8:
0xc6: {  	_ = 	snop;
	(pc) =	sbr.rel @!p1 .LBB2_10-.Ltmp8, $1  }
0xc7: {  	_ =	sdelay $0x3  }
0xc8: {  	p1 =	slt.u32 s26, $0x2  }
.Ltmp9:
0xc9: {  	s6 =	simm.s32 @!p1 $0x5;
	(pc) =	sbr.rel .LBB2_13-.Ltmp9, $4  }
0xca: {  	_ =	swait.ge @!p1 [sflag:s6], $0x2800  }
0xcb: {  	[sflag:s6] =	ssyncset.done @!p1 $0x0  }
0xcc: {  	[sflag:s6] =	ssyncadd.s32 @!p1 $0xFFFFD800  }
0xcd: {  	[tilespmem:s17], [sflag:$0x2] =	stream.indirect.gather [hbm4b:s0+s10], $0x80, s25, s10, $0xb8;
	[tilespmem:$0x1F800] =	vst v63  }
.LBB2_12:
0xce: {  	p1 =	slt.u32 s26, $0x2  }
.Ltmp10:
0xcf: {  	s6 =	simm.s32 @!p1 $0x6;
	(pc) =	sbr.rel .LBB2_13-.Ltmp10, $4  }
0xd0: {  	_ =	swait.ge @!p1 [sflag:s6], $0x2800  }
0xd1: {  	[sflag:s6] =	ssyncset.done @!p1 $0x0  }
0xd2: {  	[sflag:s6] =	ssyncadd.s32 @!p1 $0xFFFFD800  }
0xd3: {  	[tilespmem:s11], [sflag:$0x3] =	stream.indirect.gather [hbm4b:s0+s10], $0x80, s25, s10, $0xb8;
	[tilespmem:$0x1F800] =	vst v63  }
.LBB2_10:
0xd4: {  	p1 =	slt.u32 s26, $0x2  }
0xd5: {  	s6 =	simm.s32 @!p1 $0x4  }
0xd6: {  	_ =	swait.ge @!p1 [sflag:s6], $0x2800  }
0xd7: {  	[sflag:s6] =	ssyncset.done @!p1 $0x0  }
0xd8: {  	[sflag:s6] =	ssyncadd.s32 @!p1 $0xFFFFD800  }
0xd9: {  	[tilespmem:s31], [sflag:$0x1] =	stream.indirect.gather [hbm4b:s0+s10], $0x80, s25, s10, $0xb8;
	[tilespmem:$0x1F800] =	vst v63  }
.LBB2_13:
0xda: {  	v2 =	vld [tilespmem:s24+$0x0];
	_ =	sdelay $0x7  }
0xdb: {  	[tilespmem:v2+s2+$0x0] =	vst.idx.add.f32.msk $0xffff, v1  }
0xdc: {  	v2 =	vld [tilespmem:s24+$0x10];
	_ =	sdelay $0x7  }
0xdd: {  	[tilespmem:v2+s2+$0x0] =	vst.idx.add.f32.msk $0xffff, v1  }
0xde: {  	v2 =	vld [tilespmem:s24+$0x20];
	_ =	sdelay $0x7  }
0xdf: {  	[tilespmem:v2+s2+$0x0] =	vst.idx.add.f32.msk $0xffff, v1  }
0xe0: {  	v2 =	vld [tilespmem:s24+$0x30];
	_ =	sdelay $0x3  }
0xe1: {  	s6 =	smul.u32 $0xAB, s26;
	_ =	sdelay $0x1  }
0xe2: {  	s6 =	sshrl.u32 s6, $0x9  }
0xe3: {  	s6 =	sand.u32 $0x7F, s6  }
0xe4: {  	s6 =	smul.u32 $0x3, s6;
	[tilespmem:v2+s2+$0x0] =	vst.idx.add.f32.msk $0xffff, v1  }
0xe5: {  	v2 =	vld [tilespmem:s24+$0x40]  }
0xe6: {  	s6 =	ssub.s32 s26, s6  }
0xe7: {  	s26 =	sand.u32 $0xFF, s6  }
0xe8: {  	p1 =	seq.s32 s26, $0x2  }
.Ltmp11:
0xe9: {  	_ = 	snop;
	(pc) =	sbr.rel @p1 .LBB2_15-.Ltmp11, $2  }
0xea: {  	_ =	sdelay $0x2  }
0xeb: {  	[tilespmem:v2+s2+$0x0] =	vst.idx.add.f32.msk $0xffff, v1  }
0xec: {  	p1 =	seq.s32 s26, $0x1  }
0xed: {  	_ =	swait.ge @p1 [sflag:s16], $0x2800  }
0xee: {  	[sflag:s16] =	ssyncset.done @p1 $0x0  }
0xef: {  	[sflag:s16] =	ssyncadd.s32 @p1 $0xFFFFD800  }
0xf0: {  	[spmem:s4] =	stream.indirect.scatter.add.f32 @p1 [tilespmem:s17], [sflag:$0x5], $0x80, s24, s10, $0xb8;
	[tilespmem:$0x1F800] =	vst v63  }
.Ltmp12:
0xf1: {  	_ = 	snop;
	(pc) =	sbr.rel .LBB2_16-.Ltmp12, $4  }
0xf2: {  	_ =	swait.ge @!p1 [sflag:s18], $0x2800  }
0xf3: {  	[sflag:s18] =	ssyncset.done @!p1 $0x0  }
0xf4: {  	[sflag:s18] =	ssyncadd.s32 @!p1 $0xFFFFD800  }
0xf5: {  	[spmem:s4] =	stream.indirect.scatter.add.f32 @!p1 [tilespmem:s31], [sflag:$0x4], $0x80, s24, s10, $0xb8;
	[tilespmem:$0x1F800] =	vst v63  }
.LBB2_18:
0xf6: {  	s21 =	simm.s32 $0x0;
	s23 =	stileid.u32  }
.LBB2_19:
0xf7: {  	s6 =	sadd.s32 s21, s3  }
0xf8: {  	s6 =	sand.u32 $0xF, s6  }
0xf9: {  	s6 =	smul.u32 $0xA00, s6;
	_ =	sdelay $0x1  }
0xfa: {  	s6 =	sshrl.u32 s6, $0x2  }
0xfb: {  	s26 =	sand.u32 $0x8, s23;
	s6 =	sadd.s32 $0x9000, s6  }
0xfc: {  	[spmem:s20] =	stream.strided.scatter [tilespmem:s6], [sflag:$0x7], $0x280, s29, s28, $0x38;
	[tilespmem:$0x1F800] =	vst v63  }
0xfd: {  	s6 =	sshrl.u32 s26, $0x3  }
0xfe: {  	s6 =	smul.u32 $0x5000, s6  }
0xff: {  	_ =	swait.ge [sflag:s30], $0x280  }
0x100: {  	s8 =	sshll.u32 s23, $0x7;
	[sflag:s30] =	ssyncset.done $0x0;
	s6 =	sshrl.u32 s6, $0x2  }
0x101: {  	s8 =	sand.u32 $0x380, s8;
	[sflag:s30] =	ssyncadd.s32 $0xFFFFFD80;
	s6 =	sadd.s32 s6, s5  }
0x102: {  	[bflag:$0x0] =	sbarrier.arrive $0xFFFF;
	s6 =	sadd.s32 s8, s6  }
0x103: {  	[tilespmem:s15], [sflag:$0x7] =	stream.strided.gather [spmem:s6], $0x280, s29, s28, $0x38;
	[tilespmem:$0x1F800] =	vst v63  }
0x104: {  	_ =	swait.ge [sflag:s30], $0x280  }
0x105: {  	[sflag:s30] =	ssyncset.done $0x0  }
0x106: {  	[sflag:s30] =	ssyncadd.s32 $0xFFFFFD80  }
0x107: {  	v2 =	vld [tilespmem:$0xB800]  }
0x108: {  	v3 =	vld [tilespmem:$0xBA80]  }
0x109: {  	v4 =	vld [tilespmem:$0xB810]  }
0x10a: {  	v5 =	vld [tilespmem:$0xBA90]  }
0x10b: {  	v6 =	vld [tilespmem:$0xB820]  }
0x10c: {  	v7 =	vld [tilespmem:$0xBAA0]  }
0x10d: {  	v8 =	vld [tilespmem:$0xB830]  }
0x10e: {  	v9 =	vld [tilespmem:$0xBAB0]  }
0x10f: {  	v10 =	vld [tilespmem:$0xB840]  }
0x110: {  	v11 =	vld [tilespmem:$0xBAC0]  }
0x111: {  	v12 =	vld [tilespmem:$0xB850]  }
0x112: {  	v13 =	vld [tilespmem:$0xBAD0]  }
0x113: {  	v14 =	vld [tilespmem:$0xB860]  }
0x114: {  	v15 =	vld [tilespmem:$0xBAE0]  }
0x115: {  	v16 =	vld [tilespmem:$0xB870]  }
0x116: {  	v17 =	vld [tilespmem:$0xBAF0]  }
0x117: {  	v18 =	vld [tilespmem:$0xB880]  }
0x118: {  	v19 =	vld [tilespmem:$0xBB00]  }
0x119: {  	v20 =	vld [tilespmem:$0xB890]  }
0x11a: {  	v21 =	vld [tilespmem:$0xBB10]  }
0x11b: {  	v22 =	vld [tilespmem:$0xB8A0]  }
0x11c: {  	v23 =	vld [tilespmem:$0xBB20]  }
0x11d: {  	v24 =	vld [tilespmem:$0xB8B0]  }
0x11e: {  	v25 =	vld [tilespmem:$0xBB30]  }
0x11f: {  	v26 =	vld [tilespmem:$0xB8C0]  }
0x120: {  	v27 =	vld [tilespmem:$0xBB40]  }
0x121: {  	v28 =	vld [tilespmem:$0xB8D0]  }
0x122: {  	v29 =	vld [tilespmem:$0xBB50]  }
0x123: {  	v30 =	vld [tilespmem:$0xB8E0]  }
0x124: {  	v31 =	vld [tilespmem:$0xBB60]  }
0x125: {  	v32 =	vld [tilespmem:$0xB8F0]  }
0x126: {  	v33 =	vld [tilespmem:$0xBB70]  }
0x127: {  	v34 =	vld [tilespmem:$0xB900]  }
0x128: {  	v35 =	vld [tilespmem:$0xBB80]  }
0x129: {  	v36 =	vld [tilespmem:$0xB910]  }
0x12a: {  	v37 =	vld [tilespmem:$0xBB90]  }
0x12b: {  	v38 =	vld [tilespmem:$0xB920]  }
0x12c: {  	v39 =	vld [tilespmem:$0xBBA0]  }
0x12d: {  	v40 =	vld [tilespmem:$0xB930]  }
0x12e: {  	v41 =	vld [tilespmem:$0xBBB0]  }
0x12f: {  	v42 =	vld [tilespmem:$0xB940]  }
0x130: {  	v43 =	vld [tilespmem:$0xBBC0]  }
0x131: {  	v44 =	vld [tilespmem:$0xB950]  }
0x132: {  	v45 =	vld [tilespmem:$0xBBD0]  }
0x133: {  	v46 =	vld [tilespmem:$0xB960]  }
0x134: {  	v47 =	vld [tilespmem:$0xB970];
	v2 =	vadd.f32 v3, v2  }
0x135: {  	v48 =	vld [tilespmem:$0xBBF0];
	v4 =	vadd.f32 v5, v4  }
0x136: {  	v50 =	vld [tilespmem:$0xB980];
	[tilespmem:$0xB800] =	vst v2;
	v2 =	vadd.f32 v7, v6  }
0x137: {  	v51 =	vld [tilespmem:$0xBC00];
	v49 =	vadd.f32 v9, v8;
	[tilespmem:$0xB810] =	vst v4  }
0x138: {  	v53 =	vld [tilespmem:$0xB990];
	[tilespmem:$0xB820] =	vst v2;
	v2 =	vadd.f32 v11, v10  }
0x139: {  	v54 =	vld [tilespmem:$0xBC10];
	v52 =	vadd.f32 v13, v12;
	[tilespmem:$0xB830] =	vst v49  }
0x13a: {  	v56 =	vld [tilespmem:$0xB9A0];
	[tilespmem:$0xB840] =	vst v2;
	v2 =	vadd.f32 v15, v14  }
0x13b: {  	v57 =	vld [tilespmem:$0xBC20];
	v55 =	vadd.f32 v17, v16;
	[tilespmem:$0xB850] =	vst v52  }
0x13c: {  	v59 =	vld [tilespmem:$0xB9B0];
	[tilespmem:$0xB860] =	vst v2;
	v2 =	vadd.f32 v19, v18  }
0x13d: {  	v60 =	vld [tilespmem:$0xBC30];
	v58 =	vadd.f32 v21, v20;
	[tilespmem:$0xB870] =	vst v55  }
0x13e: {  	v62 =	vld [tilespmem:$0xB9C0];
	[tilespmem:$0xB880] =	vst v2;
	v2 =	vadd.f32 v23, v22  }
0x13f: {  	v63 =	vld [tilespmem:$0xBC40];
	v61 =	vadd.f32 v25, v24;
	[tilespmem:$0xB890] =	vst v58  }
0x140: {  	v3 =	vld [tilespmem:$0xBBE0];
	[tilespmem:$0xB8A0] =	vst v2;
	v2 =	vadd.f32 v27, v26  }
0x141: {  	v28 =	vadd.f32 v29, v28;
	v29 =	vld [tilespmem:$0xB9D0];
	[tilespmem:$0xB8B0] =	vst v61  }
0x142: {  	v32 =	vadd.f32 v33, v32;
	v33 =	vld [tilespmem:$0xB9E0];
	[tilespmem:$0xB8C0] =	vst v2;
	v2 =	vadd.f32 v31, v30  }
0x143: {  	v36 =	vadd.f32 v37, v36;
	v37 =	vld [tilespmem:$0xB9F0];
	[tilespmem:$0xB8D0] =	vst v28  }
0x144: {  	v40 =	vadd.f32 v41, v40;
	v41 =	vld [tilespmem:$0xBA00];
	[tilespmem:$0xB8E0] =	vst v2;
	v2 =	vadd.f32 v35, v34  }
0x145: {  	v44 =	vadd.f32 v45, v44;
	v45 =	vld [tilespmem:$0xBA10];
	[tilespmem:$0xB8F0] =	vst v32  }
0x146: {  	v47 =	vadd.f32 v48, v47;
	v48 =	vld [tilespmem:$0xBA20];
	[tilespmem:$0xB900] =	vst v2;
	v2 =	vadd.f32 v39, v38  }
0x147: {  	[tilespmem:$0xB910] =	vst v36;
	v49 =	vld [tilespmem:$0xBCA0]  }
0x148: {  	v52 =	vld [tilespmem:$0xBCB0];
	[tilespmem:$0xB920] =	vst v2;
	v2 =	vadd.f32 v43, v42  }
0x149: {  	[tilespmem:$0xB930] =	vst v40;
	v55 =	vld [tilespmem:$0xBCC0]  }
0x14a: {  	v58 =	vld [tilespmem:$0xBCD0];
	[tilespmem:$0xB940] =	vst v2;
	v2 =	vadd.f32 v3, v46  }
0x14b: {  	[tilespmem:$0xB950] =	vst v44;
	v39 =	vld [tilespmem:$0xBC70]  }
0x14c: {  	v61 =	vld [tilespmem:$0xBCE0];
	[tilespmem:$0xB960] =	vst v2;
	v2 =	vadd.f32 v51, v50  }
0x14d: {  	[tilespmem:$0xB970] =	vst v47;
	v31 =	vld [tilespmem:$0xBC50];
	v50 =	vadd.f32 v54, v53  }
0x14e: {  	v35 =	vld [tilespmem:$0xBC60];
	v53 =	vadd.f32 v60, v59;
	[tilespmem:$0xB980] =	vst v2  }
0x14f: {  	v3 =	vld [tilespmem:$0xBC90];
	v2 =	vadd.f32 v57, v56;
	[tilespmem:$0xB990] =	vst v50  }
0x150: {  	v43 =	vld [tilespmem:$0xBC80];
	v59 =	vadd.f32 v39, v37;
	[tilespmem:$0xB9B0] =	vst v53  }
0x151: {  	v51 =	vld [tilespmem:$0xBA30];
	[tilespmem:$0xB9A0] =	vst v2;
	v2 =	vadd.f32 v63, v62  }
0x152: {  	v54 =	vld [tilespmem:$0xBA40];
	v56 =	vadd.f32 v31, v29;
	[tilespmem:$0xB9F0] =	vst v59  }
0x153: {  	v57 =	vld [tilespmem:$0xBA50];
	[tilespmem:$0xB9C0] =	vst v2;
	v2 =	vadd.f32 v35, v33  }
0x154: {  	v3 =	vadd.f32 v3, v45;
	[tilespmem:$0xB9D0] =	vst v56;
	v62 =	vld [tilespmem:$0xBA70]  }
0x155: {  	v63 =	vld [tilespmem:$0xBCF0];
	[tilespmem:$0xB9E0] =	vst v2;
	v2 =	vadd.f32 v43, v41  }
0x156: {  	v60 =	vld [tilespmem:$0xBA60];
	[tilespmem:$0xBA10] =	vst v3;
	v3 =	vadd.f32 v52, v51  }
0x157: {  	[tilespmem:$0xBA00] =	vst v2;
	v2 =	vadd.f32 v49, v48  }
0x158: {  	[tilespmem:$0xBA30] =	vst v3;
	v3 =	vadd.f32 v58, v57  }
0x159: {  	[tilespmem:$0xBA20] =	vst v2;
	v2 =	vadd.f32 v55, v54  }
0x15a: {  	p1 =	sne.s32 s21, $0xF;
	[tilespmem:$0xBA50] =	vst v3;
	v3 =	vadd.f32 v63, v62  }
.Ltmp13:
0x15b: {  	[tilespmem:$0xBA40] =	vst v2;
	v2 =	vadd.f32 v61, v60;
	(pc) =	sbr.rel @p1 .LBB2_19-.Ltmp13, $4  }
0x15c: {  	[tilespmem:$0xBA70] =	vst v3  }
0x15d: {  	[tilespmem:$0xBA60] =	vst v2  }
0x15e: {  	[bflag:$0x0] =	sbarrier.arrive $0xFFFF  }
0x15f: {  	s23 =	sadd.s32 $0xFFFFFFFF, s23;
	s21 =	sadd.s32 $0x1, s21  }
0x160: {  	s6 =	rddreg [dreg:$0x13];
	s8 =	simm.s32 $0x100;
	s21 =	simm.s32 $0xB800  }
0x161: {  	[hbm4b:s6+s28] =	stream.strided.scatter [tilespmem:s21], [sflag:$0x7], $0x280, s8, s28, $0x38;
	[tilespmem:$0x1F800] =	vst v63  }
0x162: {  	s6 =	sshll.u32 @!p0 s3, $0x6;
	_ =	swait.ge [sflag:s30], $0x280  }
0x163: {  	s6 =	sor.u32 @!p0 $0x1C07, s6;
	[sflag:s30] =	ssyncset.done $0x0;
	s23 =	rddreg [dreg:$0x7]  }
0x164: {  	s21 =	rddreg [dreg:$0x14];
	[sflag:s30] =	ssyncadd.s32 $0xFFFFFD80;
	s8 =	sshrl.u32 @!p0 s23, $0x3  }
0x165: {  	[hbm:s21], [sflag:s6] =	dma.local @!p0 [spmem:s8], $0x3E80  }
0x166: {  	s6 =	simm.s32 @!p0 $0x7  }
0x167: {  	_ =	swait.ge @!p0 [sflag:s6], $0x3E80  }
0x168: {  	s25 =	rddreg [dreg:$0x6]  }
0x169: {  	s26 =	rddreg [dreg:$0x15];
	s21 =	sadd.s32 $0x1, s25  }
0x16a: {  	p1 =	sne.s32 s21, s26  }
.Ltmp14:
0x16b: {  	_ = 	snop;
	(pc) =	sbr.rel @p1 .LBB2_1-.Ltmp14, $3  }
0x16c: {  	_ =	sdelay $0x1  }
0x16d: {  	[sflag:s6] =	ssyncset.done @!p0 $0x0  }
0x16e: {  	[sflag:s6] =	ssyncadd.s32 @!p0 $0xFFFFC180  }
0x16f: {  	_ =	sfence.sel $0x180000  }
0x170: {  	[bflag:$0x0] =	sbarrier.arrive $0xFFFF  }
0x171: {  	_ =	strace $0x90000047  }
0x172: {  	[bflag:$0x2] =	sbarrier.arrive $0xFFFF  }
0x173: {  	p0 =	sne.s32 s3, $0x0;
	s0 =	rddreg [dreg:$0x5]  }
0x174: {  	s0 =	sadd.s32 @!p0 $0x100000, s0  }
0x175: {  	[sflag:s0] =	ssyncadd.tile.s32 @!p0 $0x1;
	_ =	shalt  }
.Lfunc_end2:
_tile_overlayer_lowered:
.L_overlay_start_2:
0x176: {  	(tag) =	ssettag $0x2  }
0x177: {  	s0 =	rddreg [dreg:$0x0];
	s2 =	stileid.u32  }
0x178: {  	s1 =	rddreg [dreg:$0x1];
	p0 =	sne.s32 s2, $0x0  }
0x179: {  	s3 =	rddreg [dreg:$0x2];
	[bflag:$0x3] =	sbarrier.arrive $0xFFFF;
	s2 =	simm.s32 @!p0 $0x1C07  }
0x17a: {  	[timem:s3], [sflag:s2] =	dma.local @!p0 [hbm:s0], s1  }
0x17b: {  	s0 =	simm.s32 @!p0 $0x7  }
0x17c: {  	_ =	swait.ge @!p0 [sflag:s0], s1  }
0x17d: {  	s1 =	ssub.s32 @!p0 $0x0, s1;
	[sflag:s0] =	ssyncset.done @!p0 $0x0  }
0x17e: {  	[sflag:s0] =	ssyncadd.s32 @!p0 s1  }
0x17f: {  	[bflag:$0x3] =	sbarrier.arrive $0xFFFF  }
0x180: {  	_ =	shalt  }

</sc_bundles>
